<compile_context>
chip_gen: v7x
topology: tpu7x:2x2x1
jax: 0.10.2.dev20260603
libtpu: 0.0.44.dev20260713+nightly
codegen_flags: <defaults>
</compile_context>

<pallas_src>
import functools
import numpy as np
import jax
import jax.numpy as jnp
from jax import lax
from jax.experimental import pallas as pl
from jax.experimental.pallas import tpu as pltpu
from jax.experimental.pallas import tpu_sc as plsc

_BATCH = 16384
_DIM = 1024
_P = 0.1

_NW = 32
_RPW = _BATCH // _NW
_GROUPS = _RPW // 16
_ZROWS = 16
_MAXG = 6

_I32 = jnp.int32
_ROTS = ((13, 15, 26, 6), (17, 29, 16, 24))


def _rotl(x, r):
    return (x << _I32(r)) | lax.shift_right_logical(x, _I32(32 - r))


def _threefry_xor(m):
    ks0 = _I32(0)
    ks1 = _I32(1)
    ks2 = _I32(0x1BD11BDA ^ 0 ^ 1)
    ks = (ks0, ks1, ks2)
    x0 = jnp.zeros_like(m) + ks0
    x1 = m + ks1
    for rnd in range(5):
        for r in _ROTS[rnd % 2]:
            x0 = x0 + x1
            x1 = _rotl(x1, r) ^ x0
        x0 = x0 + ks[(rnd + 1) % 3]
        x1 = x1 + ks[(rnd + 2) % 3] + _I32(rnd + 1)
    return x0 ^ x1


def _uniform(m):
    bits = _threefry_xor(m)
    mant = lax.shift_right_logical(bits, _I32(9)) | _I32(0x3F800000)
    f = lax.bitcast_convert_type(mant, jnp.float32) - jnp.float32(1.0)
    tiny = jnp.float32(np.finfo(np.float32).tiny)
    return jnp.maximum(tiny, f + tiny)


def _dropped16(row0):
    lanes = lax.iota(_I32, 16)
    m0 = (row0 + lanes) * _I32(2)
    u0 = _uniform(m0)
    u1 = _uniform(m0 + _I32(1))
    u2 = u1 * u1
    u4 = u2 * u2
    u9 = u4 * u4 * u1
    return u0 < u9


def _sc_body(x_hbm, out_hbm, buf_a, buf_b, s_ia, s_ib, s_oa, s_ob):
    wid = lax.axis_index("c") * 16 + lax.axis_index("s")
    base = wid * _RPW
    CH = 32
    NCH = _RPW // CH
    bufs = (buf_a, buf_b)
    isems = (s_ia, s_ib)
    osems = (s_oa, s_ob)

    def cin(c):
        return pltpu.make_async_copy(
            x_hbm.at[pl.ds(base + c * CH, CH)], bufs[c % 2], isems[c % 2]
        )

    def cout(c):
        return pltpu.make_async_copy(
            bufs[c % 2], out_hbm.at[pl.ds(base + c * CH, CH)], osems[c % 2]
        )

    cin(0).start()
    cin(0).wait()
    cout(0).start()
    cin(1).start()
    for c in range(1, NCH):
        cin(c).wait()
        cout(c - 1).wait()
        cout(c).start()
        if c + 1 < NCH:
            cin(c + 1).start()
    cout(NCH - 1).wait()


_sc_ising = functools.partial(
    pl.kernel,
    out_type=jax.ShapeDtypeStruct((_BATCH, _DIM), jnp.float32),
    mesh=plsc.VectorSubcoreMesh(core_axis_name="c", subcore_axis_name="s"),
    scratch_types=[
        pltpu.VMEM((32, _DIM), jnp.float32),
        pltpu.VMEM((32, _DIM), jnp.float32),
        pltpu.SemaphoreType.DMA,
        pltpu.SemaphoreType.DMA,
        pltpu.SemaphoreType.DMA,
        pltpu.SemaphoreType.DMA,
    ],
)(_sc_body)


def kernel(x, state):
    del state
    return _sc_ising(x.astype(jnp.float32))

# --- scband reference (transcript-rebuilt; emitter-appended) ---
"""Pipeline reference for scband-ising-82738249990663 (READ-ONLY COPY).

The authoritative reference and input builder live on the scoring server;
editing this copy changes nothing except your own understanding.
"""

import jax, jax.numpy as jnp
import numpy as np

BATCH = 16384
DIM = 1024
P = 0.1


def setup_inputs(seed: int = 0) -> dict:
    key = jax.random.key(seed)
    kx = jax.random.fold_in(key, 0)
    # binary channel inputs in {0, 1}, cast to float (matches tf.cast(inputs, dtype))
    x = jax.random.randint(kx, (BATCH, DIM), 0, 2).astype(jnp.float32)
    # non-trainable state weight initialized to 0.0 (initializers.constant(0.0))
    state = jnp.zeros((BATCH, DIM), dtype=jnp.float32)
    return {"x": x, "state": state}


def _sample_noise(batch_size, p, key):
    # Channel.sample_noise: categorical over logits log([1-p, p]) -> Bernoulli(p)
    p_t = p * jnp.ones((batch_size, 1), dtype=jnp.float32)
    p_bar_t = 1.0 - p_t
    logits = jnp.log(jnp.concatenate([p_bar_t, p_t], axis=-1))
    noise = jax.random.categorical(key, logits, axis=-1)
    return noise.reshape(batch_size, 1).astype(jnp.float32)


def reference(x, state):
    # Ising.kernel: y = where(noise == 0, x, state); (state then assigned x as side effect)
    x = x.astype(jnp.float32)
    batch_size = x.shape[0]
    p = jnp.asarray(P, dtype=jnp.float32)
    noise = _sample_noise(batch_size, p, jax.random.key(1))
    y = jnp.where(jnp.equal(noise, 0.0), x, state)
    return y

if __name__ == "__main__":
    import jax
    _d = setup_inputs()
    print(jax.jit(kernel)(*tuple(_d.values())))

</pallas_src>

<mosaic_0001>
#map = affine_map<(d0, d1) -> (0, 0)>
module attributes {stable_mosaic.version = 14 : i64} {
  func.func @_sc_body(%arg0: i32, %arg1: i32, %arg2: memref<16384x1024xf32, #tpu.memory_space<hbm>>, %arg3: memref<16384x1024xf32, #tpu.memory_space<hbm>>, %arg4: memref<32x1024xf32, #tpu.memory_space<vmem>>, %arg5: memref<32x1024xf32, #tpu.memory_space<vmem>>, %arg6: memref<!tpu.dma_semaphore, #tpu.memory_space<semaphore_mem>>, %arg7: memref<!tpu.dma_semaphore, #tpu.memory_space<semaphore_mem>>, %arg8: memref<!tpu.dma_semaphore, #tpu.memory_space<semaphore_mem>>, %arg9: memref<!tpu.dma_semaphore, #tpu.memory_space<semaphore_mem>>) attributes {dimension_semantics = [#tpu.dimension_semantics<core_parallel>, #tpu.dimension_semantics<subcore_parallel>], iteration_bounds = array<i64: 2, 16>, scalar_prefetch = 0 : i64, scratch_operands = 6 : i64, tpu.core_type = #tpu.core_type<sc_vector_subcore>, window_params = [{transform_indices = #map}, {transform_indices = #map}]} {
    %mul3A = arith.constant 16 : i32
    %mul3A_0 = arith.muli %arg0, %mul3A : i32
    %add3A = arith.addi %mul3A_0, %arg1 : i32
    %mul3A_1 = arith.constant 512 : i32
    %mul3A_2 = arith.muli %add3A, %mul3A_1 : i32
    %add3A_3 = arith.constant 0 : i32
    %add3A_4 = arith.addi %mul3A_2, %add3A_3 : i32
    %dma_start3A = arith.constant 0 : i32
    %dma_start3A_5 = tpu.memref_slice %arg2[%add3A_4, %dma_start3A] : memref<16384x1024xf32, #tpu.memory_space<hbm>> -> memref<32x1024xf32, #tpu.memory_space<hbm>>
    %dma_start3A_6 = arith.constant 0 : i32
    %dma_start3A_7 = tpu.memref_slice %arg2[%add3A_4, %dma_start3A_6] : memref<16384x1024xf32, #tpu.memory_space<hbm>> -> memref<32x1024xf32, #tpu.memory_space<hbm>>
    tpu.enqueue_dma source(%dma_start3A_7 : memref<32x1024xf32, #tpu.memory_space<hbm>>) target(%arg4 : memref<32x1024xf32, #tpu.memory_space<vmem>>) target_semaphore(%arg6 : memref<!tpu.dma_semaphore, #tpu.memory_space<semaphore_mem>>)
    %add3A_8 = arith.constant 0 : i32
    %add3A_9 = arith.addi %mul3A_2, %add3A_8 : i32
    %dma_wait3A = arith.constant 0 : i32
    %dma_wait3A_10 = tpu.memref_slice %arg2[%add3A_9, %dma_wait3A] : memref<16384x1024xf32, #tpu.memory_space<hbm>> -> memref<32x1024xf32, #tpu.memory_space<hbm>>
    %dma_wait3A_11 = arith.constant 0 : i32
    %dma_wait3A_12 = tpu.memref_slice %arg2[%add3A_9, %dma_wait3A_11] : memref<16384x1024xf32, #tpu.memory_space<hbm>> -> memref<32x1024xf32, #tpu.memory_space<hbm>>
    tpu.wait_dma2 semaphore(%arg6 : memref<!tpu.dma_semaphore, #tpu.memory_space<semaphore_mem>>) src(%dma_wait3A_12 : memref<32x1024xf32, #tpu.memory_space<hbm>>) dst(%arg4 : memref<32x1024xf32, #tpu.memory_space<vmem>>)
    %add3A_13 = arith.constant 0 : i32
    %add3A_14 = arith.addi %mul3A_2, %add3A_13 : i32
    %dma_start3A_15 = arith.constant 0 : i32
    %dma_start3A_16 = tpu.memref_slice %arg3[%add3A_14, %dma_start3A_15] : memref<16384x1024xf32, #tpu.memory_space<hbm>> -> memref<32x1024xf32, #tpu.memory_space<hbm>>
    %dma_start3A_17 = arith.constant 0 : i32
    %dma_start3A_18 = tpu.memref_slice %arg3[%add3A_14, %dma_start3A_17] : memref<16384x1024xf32, #tpu.memory_space<hbm>> -> memref<32x1024xf32, #tpu.memory_space<hbm>>
    tpu.enqueue_dma source(%arg4 : memref<32x1024xf32, #tpu.memory_space<vmem>>) target(%dma_start3A_18 : memref<32x1024xf32, #tpu.memory_space<hbm>>) target_semaphore(%arg8 : memref<!tpu.dma_semaphore, #tpu.memory_space<semaphore_mem>>)
    %add3A_19 = arith.constant 32 : i32
    %add3A_20 = arith.addi %mul3A_2, %add3A_19 : i32
    %dma_start3A_21 = arith.constant 0 : i32
    %dma_start3A_22 = tpu.memref_slice %arg2[%add3A_20, %dma_start3A_21] : memref<16384x1024xf32, #tpu.memory_space<hbm>> -> memref<32x1024xf32, #tpu.memory_space<hbm>>
    %dma_start3A_23 = arith.constant 0 : i32
    %dma_start3A_24 = tpu.memref_slice %arg2[%add3A_20, %dma_start3A_23] : memref<16384x1024xf32, #tpu.memory_space<hbm>> -> memref<32x1024xf32, #tpu.memory_space<hbm>>
    tpu.enqueue_dma source(%dma_start3A_24 : memref<32x1024xf32, #tpu.memory_space<hbm>>) target(%arg5 : memref<32x1024xf32, #tpu.memory_space<vmem>>) target_semaphore(%arg7 : memref<!tpu.dma_semaphore, #tpu.memory_space<semaphore_mem>>)
    %add3A_25 = arith.constant 32 : i32
    %add3A_26 = arith.addi %mul3A_2, %add3A_25 : i32
    %dma_wait3A_27 = arith.constant 0 : i32
    %dma_wait3A_28 = tpu.memref_slice %arg2[%add3A_26, %dma_wait3A_27] : memref<16384x1024xf32, #tpu.memory_space<hbm>> -> memref<32x1024xf32, #tpu.memory_space<hbm>>
    %dma_wait3A_29 = arith.constant 0 : i32
    %dma_wait3A_30 = tpu.memref_slice %arg2[%add3A_26, %dma_wait3A_29] : memref<16384x1024xf32, #tpu.memory_space<hbm>> -> memref<32x1024xf32, #tpu.memory_space<hbm>>
    tpu.wait_dma2 semaphore(%arg7 : memref<!tpu.dma_semaphore, #tpu.memory_space<semaphore_mem>>) src(%dma_wait3A_30 : memref<32x1024xf32, #tpu.memory_space<hbm>>) dst(%arg5 : memref<32x1024xf32, #tpu.memory_space<vmem>>)
    %add3A_31 = arith.constant 0 : i32
    %add3A_32 = arith.addi %mul3A_2, %add3A_31 : i32
    %dma_wait3A_33 = arith.constant 0 : i32
    %dma_wait3A_34 = tpu.memref_slice %arg3[%add3A_32, %dma_wait3A_33] : memref<16384x1024xf32, #tpu.memory_space<hbm>> -> memref<32x1024xf32, #tpu.memory_space<hbm>>
    %dma_wait3A_35 = arith.constant 0 : i32
    %dma_wait3A_36 = tpu.memref_slice %arg3[%add3A_32, %dma_wait3A_35] : memref<16384x1024xf32, #tpu.memory_space<hbm>> -> memref<32x1024xf32, #tpu.memory_space<hbm>>
    tpu.wait_dma2 semaphore(%arg8 : memref<!tpu.dma_semaphore, #tpu.memory_space<semaphore_mem>>) src(%arg4 : memref<32x1024xf32, #tpu.memory_space<vmem>>) dst(%dma_wait3A_36 : memref<32x1024xf32, #tpu.memory_space<hbm>>)
    %add3A_37 = arith.constant 32 : i32
    %add3A_38 = arith.addi %mul3A_2, %add3A_37 : i32
    %dma_start3A_39 = arith.constant 0 : i32
    %dma_start3A_40 = tpu.memref_slice %arg3[%add3A_38, %dma_start3A_39] : memref<16384x1024xf32, #tpu.memory_space<hbm>> -> memref<32x1024xf32, #tpu.memory_space<hbm>>
    %dma_start3A_41 = arith.constant 0 : i32
    %dma_start3A_42 = tpu.memref_slice %arg3[%add3A_38, %dma_start3A_41] : memref<16384x1024xf32, #tpu.memory_space<hbm>> -> memref<32x1024xf32, #tpu.memory_space<hbm>>
    tpu.enqueue_dma source(%arg5 : memref<32x1024xf32, #tpu.memory_space<vmem>>) target(%dma_start3A_42 : memref<32x1024xf32, #tpu.memory_space<hbm>>) target_semaphore(%arg9 : memref<!tpu.dma_semaphore, #tpu.memory_space<semaphore_mem>>)
    %add3A_43 = arith.constant 64 : i32
    %add3A_44 = arith.addi %mul3A_2, %add3A_43 : i32
    %dma_start3A_45 = arith.constant 0 : i32
    %dma_start3A_46 = tpu.memref_slice %arg2[%add3A_44, %dma_start3A_45] : memref<16384x1024xf32, #tpu.memory_space<hbm>> -> memref<32x1024xf32, #tpu.memory_space<hbm>>
    %dma_start3A_47 = arith.constant 0 : i32
    %dma_start3A_48 = tpu.memref_slice %arg2[%add3A_44, %dma_start3A_47] : memref<16384x1024xf32, #tpu.memory_space<hbm>> -> memref<32x1024xf32, #tpu.memory_space<hbm>>
    tpu.enqueue_dma source(%dma_start3A_48 : memref<32x1024xf32, #tpu.memory_space<hbm>>) target(%arg4 : memref<32x1024xf32, #tpu.memory_space<vmem>>) target_semaphore(%arg6 : memref<!tpu.dma_semaphore, #tpu.memory_space<semaphore_mem>>)
    %add3A_49 = arith.constant 64 : i32
    %add3A_50 = arith.addi %mul3A_2, %add3A_49 : i32
    %dma_wait3A_51 = arith.constant 0 : i32
    %dma_wait3A_52 = tpu.memref_slice %arg2[%add3A_50, %dma_wait3A_51] : memref<16384x1024xf32, #tpu.memory_space<hbm>> -> memref<32x1024xf32, #tpu.memory_space<hbm>>
    %dma_wait3A_53 = arith.constant 0 : i32
    %dma_wait3A_54 = tpu.memref_slice %arg2[%add3A_50, %dma_wait3A_53] : memref<16384x1024xf32, #tpu.memory_space<hbm>> -> memref<32x1024xf32, #tpu.memory_space<hbm>>
    tpu.wait_dma2 semaphore(%arg6 : memref<!tpu.dma_semaphore, #tpu.memory_space<semaphore_mem>>) src(%dma_wait3A_54 : memref<32x1024xf32, #tpu.memory_space<hbm>>) dst(%arg4 : memref<32x1024xf32, #tpu.memory_space<vmem>>)
    %add3A_55 = arith.constant 32 : i32
    %add3A_56 = arith.addi %mul3A_2, %add3A_55 : i32
    %dma_wait3A_57 = arith.constant 0 : i32
    %dma_wait3A_58 = tpu.memref_slice %arg3[%add3A_56, %dma_wait3A_57] : memref<16384x1024xf32, #tpu.memory_space<hbm>> -> memref<32x1024xf32, #tpu.memory_space<hbm>>
    %dma_wait3A_59 = arith.constant 0 : i32
    %dma_wait3A_60 = tpu.memref_slice %arg3[%add3A_56, %dma_wait3A_59] : memref<16384x1024xf32, #tpu.memory_space<hbm>> -> memref<32x1024xf32, #tpu.memory_space<hbm>>
    tpu.wait_dma2 semaphore(%arg9 : memref<!tpu.dma_semaphore, #tpu.memory_space<semaphore_mem>>) src(%arg5 : memref<32x1024xf32, #tpu.memory_space<vmem>>) dst(%dma_wait3A_60 : memref<32x1024xf32, #tpu.memory_space<hbm>>)
    %add3A_61 = arith.constant 64 : i32
    %add3A_62 = arith.addi %mul3A_2, %add3A_61 : i32
    %dma_start3A_63 = arith.constant 0 : i32
    %dma_start3A_64 = tpu.memref_slice %arg3[%add3A_62, %dma_start3A_63] : memref<16384x1024xf32, #tpu.memory_space<hbm>> -> memref<32x1024xf32, #tpu.memory_space<hbm>>
    %dma_start3A_65 = arith.constant 0 : i32
    %dma_start3A_66 = tpu.memref_slice %arg3[%add3A_62, %dma_start3A_65] : memref<16384x1024xf32, #tpu.memory_space<hbm>> -> memref<32x1024xf32, #tpu.memory_space<hbm>>
    tpu.enqueue_dma source(%arg4 : memref<32x1024xf32, #tpu.memory_space<vmem>>) target(%dma_start3A_66 : memref<32x1024xf32, #tpu.memory_space<hbm>>) target_semaphore(%arg8 : memref<!tpu.dma_semaphore, #tpu.memory_space<semaphore_mem>>)
    %add3A_67 = arith.constant 96 : i32
    %add3A_68 = arith.addi %mul3A_2, %add3A_67 : i32
    %dma_start3A_69 = arith.constant 0 : i32
    %dma_start3A_70 = tpu.memref_slice %arg2[%add3A_68, %dma_start3A_69] : memref<16384x1024xf32, #tpu.memory_space<hbm>> -> memref<32x1024xf32, #tpu.memory_space<hbm>>
    %dma_start3A_71 = arith.constant 0 : i32
    %dma_start3A_72 = tpu.memref_slice %arg2[%add3A_68, %dma_start3A_71] : memref<16384x1024xf32, #tpu.memory_space<hbm>> -> memref<32x1024xf32, #tpu.memory_space<hbm>>
    tpu.enqueue_dma source(%dma_start3A_72 : memref<32x1024xf32, #tpu.memory_space<hbm>>) target(%arg5 : memref<32x1024xf32, #tpu.memory_space<vmem>>) target_semaphore(%arg7 : memref<!tpu.dma_semaphore, #tpu.memory_space<semaphore_mem>>)
    %add3A_73 = arith.constant 96 : i32
    %add3A_74 = arith.addi %mul3A_2, %add3A_73 : i32
    %dma_wait3A_75 = arith.constant 0 : i32
    %dma_wait3A_76 = tpu.memref_slice %arg2[%add3A_74, %dma_wait3A_75] : memref<16384x1024xf32, #tpu.memory_space<hbm>> -> memref<32x1024xf32, #tpu.memory_space<hbm>>
    %dma_wait3A_77 = arith.constant 0 : i32
    %dma_wait3A_78 = tpu.memref_slice %arg2[%add3A_74, %dma_wait3A_77] : memref<16384x1024xf32, #tpu.memory_space<hbm>> -> memref<32x1024xf32, #tpu.memory_space<hbm>>
    tpu.wait_dma2 semaphore(%arg7 : memref<!tpu.dma_semaphore, #tpu.memory_space<semaphore_mem>>) src(%dma_wait3A_78 : memref<32x1024xf32, #tpu.memory_space<hbm>>) dst(%arg5 : memref<32x1024xf32, #tpu.memory_space<vmem>>)
    %add3A_79 = arith.constant 64 : i32
    %add3A_80 = arith.addi %mul3A_2, %add3A_79 : i32
    %dma_wait3A_81 = arith.constant 0 : i32
    %dma_wait3A_82 = tpu.memref_slice %arg3[%add3A_80, %dma_wait3A_81] : memref<16384x1024xf32, #tpu.memory_space<hbm>> -> memref<32x1024xf32, #tpu.memory_space<hbm>>
    %dma_wait3A_83 = arith.constant 0 : i32
    %dma_wait3A_84 = tpu.memref_slice %arg3[%add3A_80, %dma_wait3A_83] : memref<16384x1024xf32, #tpu.memory_space<hbm>> -> memref<32x1024xf32, #tpu.memory_space<hbm>>
    tpu.wait_dma2 semaphore(%arg8 : memref<!tpu.dma_semaphore, #tpu.memory_space<semaphore_mem>>) src(%arg4 : memref<32x1024xf32, #tpu.memory_space<vmem>>) dst(%dma_wait3A_84 : memref<32x1024xf32, #tpu.memory_space<hbm>>)
    %add3A_85 = arith.constant 96 : i32
    %add3A_86 = arith.addi %mul3A_2, %add3A_85 : i32
    %dma_start3A_87 = arith.constant 0 : i32
    %dma_start3A_88 = tpu.memref_slice %arg3[%add3A_86, %dma_start3A_87] : memref<16384x1024xf32, #tpu.memory_space<hbm>> -> memref<32x1024xf32, #tpu.memory_space<hbm>>
    %dma_start3A_89 = arith.constant 0 : i32
    %dma_start3A_90 = tpu.memref_slice %arg3[%add3A_86, %dma_start3A_89] : memref<16384x1024xf32, #tpu.memory_space<hbm>> -> memref<32x1024xf32, #tpu.memory_space<hbm>>
    tpu.enqueue_dma source(%arg5 : memref<32x1024xf32, #tpu.memory_space<vmem>>) target(%dma_start3A_90 : memref<32x1024xf32, #tpu.memory_space<hbm>>) target_semaphore(%arg9 : memref<!tpu.dma_semaphore, #tpu.memory_space<semaphore_mem>>)
    %add3A_91 = arith.constant 128 : i32
    %add3A_92 = arith.addi %mul3A_2, %add3A_91 : i32
    %dma_start3A_93 = arith.constant 0 : i32
    %dma_start3A_94 = tpu.memref_slice %arg2[%add3A_92, %dma_start3A_93] : memref<16384x1024xf32, #tpu.memory_space<hbm>> -> memref<32x1024xf32, #tpu.memory_space<hbm>>
    %dma_start3A_95 = arith.constant 0 : i32
    %dma_start3A_96 = tpu.memref_slice %arg2[%add3A_92, %dma_start3A_95] : memref<16384x1024xf32, #tpu.memory_space<hbm>> -> memref<32x1024xf32, #tpu.memory_space<hbm>>
    tpu.enqueue_dma source(%dma_start3A_96 : memref<32x1024xf32, #tpu.memory_space<hbm>>) target(%arg4 : memref<32x1024xf32, #tpu.memory_space<vmem>>) target_semaphore(%arg6 : memref<!tpu.dma_semaphore, #tpu.memory_space<semaphore_mem>>)
    %add3A_97 = arith.constant 128 : i32
    %add3A_98 = arith.addi %mul3A_2, %add3A_97 : i32
    %dma_wait3A_99 = arith.constant 0 : i32
    %dma_wait3A_100 = tpu.memref_slice %arg2[%add3A_98, %dma_wait3A_99] : memref<16384x1024xf32, #tpu.memory_space<hbm>> -> memref<32x1024xf32, #tpu.memory_space<hbm>>
    %dma_wait3A_101 = arith.constant 0 : i32
    %dma_wait3A_102 = tpu.memref_slice %arg2[%add3A_98, %dma_wait3A_101] : memref<16384x1024xf32, #tpu.memory_space<hbm>> -> memref<32x1024xf32, #tpu.memory_space<hbm>>
    tpu.wait_dma2 semaphore(%arg6 : memref<!tpu.dma_semaphore, #tpu.memory_space<semaphore_mem>>) src(%dma_wait3A_102 : memref<32x1024xf32, #tpu.memory_space<hbm>>) dst(%arg4 : memref<32x1024xf32, #tpu.memory_space<vmem>>)
    %add3A_103 = arith.constant 96 : i32
    %add3A_104 = arith.addi %mul3A_2, %add3A_103 : i32
    %dma_wait3A_105 = arith.constant 0 : i32
    %dma_wait3A_106 = tpu.memref_slice %arg3[%add3A_104, %dma_wait3A_105] : memref<16384x1024xf32, #tpu.memory_space<hbm>> -> memref<32x1024xf32, #tpu.memory_space<hbm>>
    %dma_wait3A_107 = arith.constant 0 : i32
    %dma_wait3A_108 = tpu.memref_slice %arg3[%add3A_104, %dma_wait3A_107] : memref<16384x1024xf32, #tpu.memory_space<hbm>> -> memref<32x1024xf32, #tpu.memory_space<hbm>>
    tpu.wait_dma2 semaphore(%arg9 : memref<!tpu.dma_semaphore, #tpu.memory_space<semaphore_mem>>) src(%arg5 : memref<32x1024xf32, #tpu.memory_space<vmem>>) dst(%dma_wait3A_108 : memref<32x1024xf32, #tpu.memory_space<hbm>>)
    %add3A_109 = arith.constant 128 : i32
    %add3A_110 = arith.addi %mul3A_2, %add3A_109 : i32
    %dma_start3A_111 = arith.constant 0 : i32
    %dma_start3A_112 = tpu.memref_slice %arg3[%add3A_110, %dma_start3A_111] : memref<16384x1024xf32, #tpu.memory_space<hbm>> -> memref<32x1024xf32, #tpu.memory_space<hbm>>
    %dma_start3A_113 = arith.constant 0 : i32
    %dma_start3A_114 = tpu.memref_slice %arg3[%add3A_110, %dma_start3A_113] : memref<16384x1024xf32, #tpu.memory_space<hbm>> -> memref<32x1024xf32, #tpu.memory_space<hbm>>
    tpu.enqueue_dma source(%arg4 : memref<32x1024xf32, #tpu.memory_space<vmem>>) target(%dma_start3A_114 : memref<32x1024xf32, #tpu.memory_space<hbm>>) target_semaphore(%arg8 : memref<!tpu.dma_semaphore, #tpu.memory_space<semaphore_mem>>)
    %add3A_115 = arith.constant 160 : i32
    %add3A_116 = arith.addi %mul3A_2, %add3A_115 : i32
    %dma_start3A_117 = arith.constant 0 : i32
    %dma_start3A_118 = tpu.memref_slice %arg2[%add3A_116, %dma_start3A_117] : memref<16384x1024xf32, #tpu.memory_space<hbm>> -> memref<32x1024xf32, #tpu.memory_space<hbm>>
    %dma_start3A_119 = arith.constant 0 : i32
    %dma_start3A_120 = tpu.memref_slice %arg2[%add3A_116, %dma_start3A_119] : memref<16384x1024xf32, #tpu.memory_space<hbm>> -> memref<32x1024xf32, #tpu.memory_space<hbm>>
    tpu.enqueue_dma source(%dma_start3A_120 : memref<32x1024xf32, #tpu.memory_space<hbm>>) target(%arg5 : memref<32x1024xf32, #tpu.memory_space<vmem>>) target_semaphore(%arg7 : memref<!tpu.dma_semaphore, #tpu.memory_space<semaphore_mem>>)
    %add3A_121 = arith.constant 160 : i32
    %add3A_122 = arith.addi %mul3A_2, %add3A_121 : i32
    %dma_wait3A_123 = arith.constant 0 : i32
    %dma_wait3A_124 = tpu.memref_slice %arg2[%add3A_122, %dma_wait3A_123] : memref<16384x1024xf32, #tpu.memory_space<hbm>> -> memref<32x1024xf32, #tpu.memory_space<hbm>>
    %dma_wait3A_125 = arith.constant 0 : i32
    %dma_wait3A_126 = tpu.memref_slice %arg2[%add3A_122, %dma_wait3A_125] : memref<16384x1024xf32, #tpu.memory_space<hbm>> -> memref<32x1024xf32, #tpu.memory_space<hbm>>
    tpu.wait_dma2 semaphore(%arg7 : memref<!tpu.dma_semaphore, #tpu.memory_space<semaphore_mem>>) src(%dma_wait3A_126 : memref<32x1024xf32, #tpu.memory_space<hbm>>) dst(%arg5 : memref<32x1024xf32, #tpu.memory_space<vmem>>)
    %add3A_127 = arith.constant 128 : i32
    %add3A_128 = arith.addi %mul3A_2, %add3A_127 : i32
    %dma_wait3A_129 = arith.constant 0 : i32
    %dma_wait3A_130 = tpu.memref_slice %arg3[%add3A_128, %dma_wait3A_129] : memref<16384x1024xf32, #tpu.memory_space<hbm>> -> memref<32x1024xf32, #tpu.memory_space<hbm>>
    %dma_wait3A_131 = arith.constant 0 : i32
    %dma_wait3A_132 = tpu.memref_slice %arg3[%add3A_128, %dma_wait3A_131] : memref<16384x1024xf32, #tpu.memory_space<hbm>> -> memref<32x1024xf32, #tpu.memory_space<hbm>>
    tpu.wait_dma2 semaphore(%arg8 : memref<!tpu.dma_semaphore, #tpu.memory_space<semaphore_mem>>) src(%arg4 : memref<32x1024xf32, #tpu.memory_space<vmem>>) dst(%dma_wait3A_132 : memref<32x1024xf32, #tpu.memory_space<hbm>>)
    %add3A_133 = arith.constant 160 : i32
    %add3A_134 = arith.addi %mul3A_2, %add3A_133 : i32
    %dma_start3A_135 = arith.constant 0 : i32
    %dma_start3A_136 = tpu.memref_slice %arg3[%add3A_134, %dma_start3A_135] : memref<16384x1024xf32, #tpu.memory_space<hbm>> -> memref<32x1024xf32, #tpu.memory_space<hbm>>
    %dma_start3A_137 = arith.constant 0 : i32
    %dma_start3A_138 = tpu.memref_slice %arg3[%add3A_134, %dma_start3A_137] : memref<16384x1024xf32, #tpu.memory_space<hbm>> -> memref<32x1024xf32, #tpu.memory_space<hbm>>
    tpu.enqueue_dma source(%arg5 : memref<32x1024xf32, #tpu.memory_space<vmem>>) target(%dma_start3A_138 : memref<32x1024xf32, #tpu.memory_space<hbm>>) target_semaphore(%arg9 : memref<!tpu.dma_semaphore, #tpu.memory_space<semaphore_mem>>)
    %add3A_139 = arith.constant 192 : i32
    %add3A_140 = arith.addi %mul3A_2, %add3A_139 : i32
    %dma_start3A_141 = arith.constant 0 : i32
    %dma_start3A_142 = tpu.memref_slice %arg2[%add3A_140, %dma_start3A_141] : memref<16384x1024xf32, #tpu.memory_space<hbm>> -> memref<32x1024xf32, #tpu.memory_space<hbm>>
    %dma_start3A_143 = arith.constant 0 : i32
    %dma_start3A_144 = tpu.memref_slice %arg2[%add3A_140, %dma_start3A_143] : memref<16384x1024xf32, #tpu.memory_space<hbm>> -> memref<32x1024xf32, #tpu.memory_space<hbm>>
    tpu.enqueue_dma source(%dma_start3A_144 : memref<32x1024xf32, #tpu.memory_space<hbm>>) target(%arg4 : memref<32x1024xf32, #tpu.memory_space<vmem>>) target_semaphore(%arg6 : memref<!tpu.dma_semaphore, #tpu.memory_space<semaphore_mem>>)
    %add3A_145 = arith.constant 192 : i32
    %add3A_146 = arith.addi %mul3A_2, %add3A_145 : i32
    %dma_wait3A_147 = arith.constant 0 : i32
    %dma_wait3A_148 = tpu.memref_slice %arg2[%add3A_146, %dma_wait3A_147] : memref<16384x1024xf32, #tpu.memory_space<hbm>> -> memref<32x1024xf32, #tpu.memory_space<hbm>>
    %dma_wait3A_149 = arith.constant 0 : i32
    %dma_wait3A_150 = tpu.memref_slice %arg2[%add3A_146, %dma_wait3A_149] : memref<16384x1024xf32, #tpu.memory_space<hbm>> -> memref<32x1024xf32, #tpu.memory_space<hbm>>
    tpu.wait_dma2 semaphore(%arg6 : memref<!tpu.dma_semaphore, #tpu.memory_space<semaphore_mem>>) src(%dma_wait3A_150 : memref<32x1024xf32, #tpu.memory_space<hbm>>) dst(%arg4 : memref<32x1024xf32, #tpu.memory_space<vmem>>)
    %add3A_151 = arith.constant 160 : i32
    %add3A_152 = arith.addi %mul3A_2, %add3A_151 : i32
    %dma_wait3A_153 = arith.constant 0 : i32
    %dma_wait3A_154 = tpu.memref_slice %arg3[%add3A_152, %dma_wait3A_153] : memref<16384x1024xf32, #tpu.memory_space<hbm>> -> memref<32x1024xf32, #tpu.memory_space<hbm>>
    %dma_wait3A_155 = arith.constant 0 : i32
    %dma_wait3A_156 = tpu.memref_slice %arg3[%add3A_152, %dma_wait3A_155] : memref<16384x1024xf32, #tpu.memory_space<hbm>> -> memref<32x1024xf32, #tpu.memory_space<hbm>>
    tpu.wait_dma2 semaphore(%arg9 : memref<!tpu.dma_semaphore, #tpu.memory_space<semaphore_mem>>) src(%arg5 : memref<32x1024xf32, #tpu.memory_space<vmem>>) dst(%dma_wait3A_156 : memref<32x1024xf32, #tpu.memory_space<hbm>>)
    %add3A_157 = arith.constant 192 : i32
    %add3A_158 = arith.addi %mul3A_2, %add3A_157 : i32
    %dma_start3A_159 = arith.constant 0 : i32
    %dma_start3A_160 = tpu.memref_slice %arg3[%add3A_158, %dma_start3A_159] : memref<16384x1024xf32, #tpu.memory_space<hbm>> -> memref<32x1024xf32, #tpu.memory_space<hbm>>
    %dma_start3A_161 = arith.constant 0 : i32
    %dma_start3A_162 = tpu.memref_slice %arg3[%add3A_158, %dma_start3A_161] : memref<16384x1024xf32, #tpu.memory_space<hbm>> -> memref<32x1024xf32, #tpu.memory_space<hbm>>
    tpu.enqueue_dma source(%arg4 : memref<32x1024xf32, #tpu.memory_space<vmem>>) target(%dma_start3A_162 : memref<32x1024xf32, #tpu.memory_space<hbm>>) target_semaphore(%arg8 : memref<!tpu.dma_semaphore, #tpu.memory_space<semaphore_mem>>)
    %add3A_163 = arith.constant 224 : i32
    %add3A_164 = arith.addi %mul3A_2, %add3A_163 : i32
    %dma_start3A_165 = arith.constant 0 : i32
    %dma_start3A_166 = tpu.memref_slice %arg2[%add3A_164, %dma_start3A_165] : memref<16384x1024xf32, #tpu.memory_space<hbm>> -> memref<32x1024xf32, #tpu.memory_space<hbm>>
    %dma_start3A_167 = arith.constant 0 : i32
    %dma_start3A_168 = tpu.memref_slice %arg2[%add3A_164, %dma_start3A_167] : memref<16384x1024xf32, #tpu.memory_space<hbm>> -> memref<32x1024xf32, #tpu.memory_space<hbm>>
    tpu.enqueue_dma source(%dma_start3A_168 : memref<32x1024xf32, #tpu.memory_space<hbm>>) target(%arg5 : memref<32x1024xf32, #tpu.memory_space<vmem>>) target_semaphore(%arg7 : memref<!tpu.dma_semaphore, #tpu.memory_space<semaphore_mem>>)
    %add3A_169 = arith.constant 224 : i32
    %add3A_170 = arith.addi %mul3A_2, %add3A_169 : i32
    %dma_wait3A_171 = arith.constant 0 : i32
    %dma_wait3A_172 = tpu.memref_slice %arg2[%add3A_170, %dma_wait3A_171] : memref<16384x1024xf32, #tpu.memory_space<hbm>> -> memref<32x1024xf32, #tpu.memory_space<hbm>>
    %dma_wait3A_173 = arith.constant 0 : i32
    %dma_wait3A_174 = tpu.memref_slice %arg2[%add3A_170, %dma_wait3A_173] : memref<16384x1024xf32, #tpu.memory_space<hbm>> -> memref<32x1024xf32, #tpu.memory_space<hbm>>
    tpu.wait_dma2 semaphore(%arg7 : memref<!tpu.dma_semaphore, #tpu.memory_space<semaphore_mem>>) src(%dma_wait3A_174 : memref<32x1024xf32, #tpu.memory_space<hbm>>) dst(%arg5 : memref<32x1024xf32, #tpu.memory_space<vmem>>)
    %add3A_175 = arith.constant 192 : i32
    %add3A_176 = arith.addi %mul3A_2, %add3A_175 : i32
    %dma_wait3A_177 = arith.constant 0 : i32
    %dma_wait3A_178 = tpu.memref_slice %arg3[%add3A_176, %dma_wait3A_177] : memref<16384x1024xf32, #tpu.memory_space<hbm>> -> memref<32x1024xf32, #tpu.memory_space<hbm>>
    %dma_wait3A_179 = arith.constant 0 : i32
    %dma_wait3A_180 = tpu.memref_slice %arg3[%add3A_176, %dma_wait3A_179] : memref<16384x1024xf32, #tpu.memory_space<hbm>> -> memref<32x1024xf32, #tpu.memory_space<hbm>>
    tpu.wait_dma2 semaphore(%arg8 : memref<!tpu.dma_semaphore, #tpu.memory_space<semaphore_mem>>) src(%arg4 : memref<32x1024xf32, #tpu.memory_space<vmem>>) dst(%dma_wait3A_180 : memref<32x1024xf32, #tpu.memory_space<hbm>>)
    %add3A_181 = arith.constant 224 : i32
    %add3A_182 = arith.addi %mul3A_2, %add3A_181 : i32
    %dma_start3A_183 = arith.constant 0 : i32
    %dma_start3A_184 = tpu.memref_slice %arg3[%add3A_182, %dma_start3A_183] : memref<16384x1024xf32, #tpu.memory_space<hbm>> -> memref<32x1024xf32, #tpu.memory_space<hbm>>
    %dma_start3A_185 = arith.constant 0 : i32
    %dma_start3A_186 = tpu.memref_slice %arg3[%add3A_182, %dma_start3A_185] : memref<16384x1024xf32, #tpu.memory_space<hbm>> -> memref<32x1024xf32, #tpu.memory_space<hbm>>
    tpu.enqueue_dma source(%arg5 : memref<32x1024xf32, #tpu.memory_space<vmem>>) target(%dma_start3A_186 : memref<32x1024xf32, #tpu.memory_space<hbm>>) target_semaphore(%arg9 : memref<!tpu.dma_semaphore, #tpu.memory_space<semaphore_mem>>)
    %add3A_187 = arith.constant 256 : i32
    %add3A_188 = arith.addi %mul3A_2, %add3A_187 : i32
    %dma_start3A_189 = arith.constant 0 : i32
    %dma_start3A_190 = tpu.memref_slice %arg2[%add3A_188, %dma_start3A_189] : memref<16384x1024xf32, #tpu.memory_space<hbm>> -> memref<32x1024xf32, #tpu.memory_space<hbm>>
    %dma_start3A_191 = arith.constant 0 : i32
    %dma_start3A_192 = tpu.memref_slice %arg2[%add3A_188, %dma_start3A_191] : memref<16384x1024xf32, #tpu.memory_space<hbm>> -> memref<32x1024xf32, #tpu.memory_space<hbm>>
    tpu.enqueue_dma source(%dma_start3A_192 : memref<32x1024xf32, #tpu.memory_space<hbm>>) target(%arg4 : memref<32x1024xf32, #tpu.memory_space<vmem>>) target_semaphore(%arg6 : memref<!tpu.dma_semaphore, #tpu.memory_space<semaphore_mem>>)
    %add3A_193 = arith.constant 256 : i32
    %add3A_194 = arith.addi %mul3A_2, %add3A_193 : i32
    %dma_wait3A_195 = arith.constant 0 : i32
    %dma_wait3A_196 = tpu.memref_slice %arg2[%add3A_194, %dma_wait3A_195] : memref<16384x1024xf32, #tpu.memory_space<hbm>> -> memref<32x1024xf32, #tpu.memory_space<hbm>>
    %dma_wait3A_197 = arith.constant 0 : i32
    %dma_wait3A_198 = tpu.memref_slice %arg2[%add3A_194, %dma_wait3A_197] : memref<16384x1024xf32, #tpu.memory_space<hbm>> -> memref<32x1024xf32, #tpu.memory_space<hbm>>
    tpu.wait_dma2 semaphore(%arg6 : memref<!tpu.dma_semaphore, #tpu.memory_space<semaphore_mem>>) src(%dma_wait3A_198 : memref<32x1024xf32, #tpu.memory_space<hbm>>) dst(%arg4 : memref<32x1024xf32, #tpu.memory_space<vmem>>)
    %add3A_199 = arith.constant 224 : i32
    %add3A_200 = arith.addi %mul3A_2, %add3A_199 : i32
    %dma_wait3A_201 = arith.constant 0 : i32
    %dma_wait3A_202 = tpu.memref_slice %arg3[%add3A_200, %dma_wait3A_201] : memref<16384x1024xf32, #tpu.memory_space<hbm>> -> memref<32x1024xf32, #tpu.memory_space<hbm>>
    %dma_wait3A_203 = arith.constant 0 : i32
    %dma_wait3A_204 = tpu.memref_slice %arg3[%add3A_200, %dma_wait3A_203] : memref<16384x1024xf32, #tpu.memory_space<hbm>> -> memref<32x1024xf32, #tpu.memory_space<hbm>>
    tpu.wait_dma2 semaphore(%arg9 : memref<!tpu.dma_semaphore, #tpu.memory_space<semaphore_mem>>) src(%arg5 : memref<32x1024xf32, #tpu.memory_space<vmem>>) dst(%dma_wait3A_204 : memref<32x1024xf32, #tpu.memory_space<hbm>>)
    %add3A_205 = arith.constant 256 : i32
    %add3A_206 = arith.addi %mul3A_2, %add3A_205 : i32
    %dma_start3A_207 = arith.constant 0 : i32
    %dma_start3A_208 = tpu.memref_slice %arg3[%add3A_206, %dma_start3A_207] : memref<16384x1024xf32, #tpu.memory_space<hbm>> -> memref<32x1024xf32, #tpu.memory_space<hbm>>
    %dma_start3A_209 = arith.constant 0 : i32
    %dma_start3A_210 = tpu.memref_slice %arg3[%add3A_206, %dma_start3A_209] : memref<16384x1024xf32, #tpu.memory_space<hbm>> -> memref<32x1024xf32, #tpu.memory_space<hbm>>
    tpu.enqueue_dma source(%arg4 : memref<32x1024xf32, #tpu.memory_space<vmem>>) target(%dma_start3A_210 : memref<32x1024xf32, #tpu.memory_space<hbm>>) target_semaphore(%arg8 : memref<!tpu.dma_semaphore, #tpu.memory_space<semaphore_mem>>)
    %add3A_211 = arith.constant 288 : i32
    %add3A_212 = arith.addi %mul3A_2, %add3A_211 : i32
    %dma_start3A_213 = arith.constant 0 : i32
    %dma_start3A_214 = tpu.memref_slice %arg2[%add3A_212, %dma_start3A_213] : memref<16384x1024xf32, #tpu.memory_space<hbm>> -> memref<32x1024xf32, #tpu.memory_space<hbm>>
    %dma_start3A_215 = arith.constant 0 : i32
    %dma_start3A_216 = tpu.memref_slice %arg2[%add3A_212, %dma_start3A_215] : memref<16384x1024xf32, #tpu.memory_space<hbm>> -> memref<32x1024xf32, #tpu.memory_space<hbm>>
    tpu.enqueue_dma source(%dma_start3A_216 : memref<32x1024xf32, #tpu.memory_space<hbm>>) target(%arg5 : memref<32x1024xf32, #tpu.memory_space<vmem>>) target_semaphore(%arg7 : memref<!tpu.dma_semaphore, #tpu.memory_space<semaphore_mem>>)
    %add3A_217 = arith.constant 288 : i32
    %add3A_218 = arith.addi %mul3A_2, %add3A_217 : i32
    %dma_wait3A_219 = arith.constant 0 : i32
    %dma_wait3A_220 = tpu.memref_slice %arg2[%add3A_218, %dma_wait3A_219] : memref<16384x1024xf32, #tpu.memory_space<hbm>> -> memref<32x1024xf32, #tpu.memory_space<hbm>>
    %dma_wait3A_221 = arith.constant 0 : i32
    %dma_wait3A_222 = tpu.memref_slice %arg2[%add3A_218, %dma_wait3A_221] : memref<16384x1024xf32, #tpu.memory_space<hbm>> -> memref<32x1024xf32, #tpu.memory_space<hbm>>
    tpu.wait_dma2 semaphore(%arg7 : memref<!tpu.dma_semaphore, #tpu.memory_space<semaphore_mem>>) src(%dma_wait3A_222 : memref<32x1024xf32, #tpu.memory_space<hbm>>) dst(%arg5 : memref<32x1024xf32, #tpu.memory_space<vmem>>)
    %add3A_223 = arith.constant 256 : i32
    %add3A_224 = arith.addi %mul3A_2, %add3A_223 : i32
    %dma_wait3A_225 = arith.constant 0 : i32
    %dma_wait3A_226 = tpu.memref_slice %arg3[%add3A_224, %dma_wait3A_225] : memref<16384x1024xf32, #tpu.memory_space<hbm>> -> memref<32x1024xf32, #tpu.memory_space<hbm>>
    %dma_wait3A_227 = arith.constant 0 : i32
    %dma_wait3A_228 = tpu.memref_slice %arg3[%add3A_224, %dma_wait3A_227] : memref<16384x1024xf32, #tpu.memory_space<hbm>> -> memref<32x1024xf32, #tpu.memory_space<hbm>>
    tpu.wait_dma2 semaphore(%arg8 : memref<!tpu.dma_semaphore, #tpu.memory_space<semaphore_mem>>) src(%arg4 : memref<32x1024xf32, #tpu.memory_space<vmem>>) dst(%dma_wait3A_228 : memref<32x1024xf32, #tpu.memory_space<hbm>>)
    %add3A_229 = arith.constant 288 : i32
    %add3A_230 = arith.addi %mul3A_2, %add3A_229 : i32
    %dma_start3A_231 = arith.constant 0 : i32
    %dma_start3A_232 = tpu.memref_slice %arg3[%add3A_230, %dma_start3A_231] : memref<16384x1024xf32, #tpu.memory_space<hbm>> -> memref<32x1024xf32, #tpu.memory_space<hbm>>
    %dma_start3A_233 = arith.constant 0 : i32
    %dma_start3A_234 = tpu.memref_slice %arg3[%add3A_230, %dma_start3A_233] : memref<16384x1024xf32, #tpu.memory_space<hbm>> -> memref<32x1024xf32, #tpu.memory_space<hbm>>
    tpu.enqueue_dma source(%arg5 : memref<32x1024xf32, #tpu.memory_space<vmem>>) target(%dma_start3A_234 : memref<32x1024xf32, #tpu.memory_space<hbm>>) target_semaphore(%arg9 : memref<!tpu.dma_semaphore, #tpu.memory_space<semaphore_mem>>)
    %add3A_235 = arith.constant 320 : i32
    %add3A_236 = arith.addi %mul3A_2, %add3A_235 : i32
    %dma_start3A_237 = arith.constant 0 : i32
    %dma_start3A_238 = tpu.memref_slice %arg2[%add3A_236, %dma_start3A_237] : memref<16384x1024xf32, #tpu.memory_space<hbm>> -> memref<32x1024xf32, #tpu.memory_space<hbm>>
    %dma_start3A_239 = arith.constant 0 : i32
    %dma_start3A_240 = tpu.memref_slice %arg2[%add3A_236, %dma_start3A_239] : memref<16384x1024xf32, #tpu.memory_space<hbm>> -> memref<32x1024xf32, #tpu.memory_space<hbm>>
    tpu.enqueue_dma source(%dma_start3A_240 : memref<32x1024xf32, #tpu.memory_space<hbm>>) target(%arg4 : memref<32x1024xf32, #tpu.memory_space<vmem>>) target_semaphore(%arg6 : memref<!tpu.dma_semaphore, #tpu.memory_space<semaphore_mem>>)
    %add3A_241 = arith.constant 320 : i32
    %add3A_242 = arith.addi %mul3A_2, %add3A_241 : i32
    %dma_wait3A_243 = arith.constant 0 : i32
    %dma_wait3A_244 = tpu.memref_slice %arg2[%add3A_242, %dma_wait3A_243] : memref<16384x1024xf32, #tpu.memory_space<hbm>> -> memref<32x1024xf32, #tpu.memory_space<hbm>>
    %dma_wait3A_245 = arith.constant 0 : i32
    %dma_wait3A_246 = tpu.memref_slice %arg2[%add3A_242, %dma_wait3A_245] : memref<16384x1024xf32, #tpu.memory_space<hbm>> -> memref<32x1024xf32, #tpu.memory_space<hbm>>
    tpu.wait_dma2 semaphore(%arg6 : memref<!tpu.dma_semaphore, #tpu.memory_space<semaphore_mem>>) src(%dma_wait3A_246 : memref<32x1024xf32, #tpu.memory_space<hbm>>) dst(%arg4 : memref<32x1024xf32, #tpu.memory_space<vmem>>)
    %add3A_247 = arith.constant 288 : i32
    %add3A_248 = arith.addi %mul3A_2, %add3A_247 : i32
    %dma_wait3A_249 = arith.constant 0 : i32
    %dma_wait3A_250 = tpu.memref_slice %arg3[%add3A_248, %dma_wait3A_249] : memref<16384x1024xf32, #tpu.memory_space<hbm>> -> memref<32x1024xf32, #tpu.memory_space<hbm>>
    %dma_wait3A_251 = arith.constant 0 : i32
    %dma_wait3A_252 = tpu.memref_slice %arg3[%add3A_248, %dma_wait3A_251] : memref<16384x1024xf32, #tpu.memory_space<hbm>> -> memref<32x1024xf32, #tpu.memory_space<hbm>>
    tpu.wait_dma2 semaphore(%arg9 : memref<!tpu.dma_semaphore, #tpu.memory_space<semaphore_mem>>) src(%arg5 : memref<32x1024xf32, #tpu.memory_space<vmem>>) dst(%dma_wait3A_252 : memref<32x1024xf32, #tpu.memory_space<hbm>>)
    %add3A_253 = arith.constant 320 : i32
    %add3A_254 = arith.addi %mul3A_2, %add3A_253 : i32
    %dma_start3A_255 = arith.constant 0 : i32
    %dma_start3A_256 = tpu.memref_slice %arg3[%add3A_254, %dma_start3A_255] : memref<16384x1024xf32, #tpu.memory_space<hbm>> -> memref<32x1024xf32, #tpu.memory_space<hbm>>
    %dma_start3A_257 = arith.constant 0 : i32
    %dma_start3A_258 = tpu.memref_slice %arg3[%add3A_254, %dma_start3A_257] : memref<16384x1024xf32, #tpu.memory_space<hbm>> -> memref<32x1024xf32, #tpu.memory_space<hbm>>
    tpu.enqueue_dma source(%arg4 : memref<32x1024xf32, #tpu.memory_space<vmem>>) target(%dma_start3A_258 : memref<32x1024xf32, #tpu.memory_space<hbm>>) target_semaphore(%arg8 : memref<!tpu.dma_semaphore, #tpu.memory_space<semaphore_mem>>)
    %add3A_259 = arith.constant 352 : i32
    %add3A_260 = arith.addi %mul3A_2, %add3A_259 : i32
    %dma_start3A_261 = arith.constant 0 : i32
    %dma_start3A_262 = tpu.memref_slice %arg2[%add3A_260, %dma_start3A_261] : memref<16384x1024xf32, #tpu.memory_space<hbm>> -> memref<32x1024xf32, #tpu.memory_space<hbm>>
    %dma_start3A_263 = arith.constant 0 : i32
    %dma_start3A_264 = tpu.memref_slice %arg2[%add3A_260, %dma_start3A_263] : memref<16384x1024xf32, #tpu.memory_space<hbm>> -> memref<32x1024xf32, #tpu.memory_space<hbm>>
    tpu.enqueue_dma source(%dma_start3A_264 : memref<32x1024xf32, #tpu.memory_space<hbm>>) target(%arg5 : memref<32x1024xf32, #tpu.memory_space<vmem>>) target_semaphore(%arg7 : memref<!tpu.dma_semaphore, #tpu.memory_space<semaphore_mem>>)
    %add3A_265 = arith.constant 352 : i32
    %add3A_266 = arith.addi %mul3A_2, %add3A_265 : i32
    %dma_wait3A_267 = arith.constant 0 : i32
    %dma_wait3A_268 = tpu.memref_slice %arg2[%add3A_266, %dma_wait3A_267] : memref<16384x1024xf32, #tpu.memory_space<hbm>> -> memref<32x1024xf32, #tpu.memory_space<hbm>>
    %dma_wait3A_269 = arith.constant 0 : i32
    %dma_wait3A_270 = tpu.memref_slice %arg2[%add3A_266, %dma_wait3A_269] : memref<16384x1024xf32, #tpu.memory_space<hbm>> -> memref<32x1024xf32, #tpu.memory_space<hbm>>
    tpu.wait_dma2 semaphore(%arg7 : memref<!tpu.dma_semaphore, #tpu.memory_space<semaphore_mem>>) src(%dma_wait3A_270 : memref<32x1024xf32, #tpu.memory_space<hbm>>) dst(%arg5 : memref<32x1024xf32, #tpu.memory_space<vmem>>)
    %add3A_271 = arith.constant 320 : i32
    %add3A_272 = arith.addi %mul3A_2, %add3A_271 : i32
    %dma_wait3A_273 = arith.constant 0 : i32
    %dma_wait3A_274 = tpu.memref_slice %arg3[%add3A_272, %dma_wait3A_273] : memref<16384x1024xf32, #tpu.memory_space<hbm>> -> memref<32x1024xf32, #tpu.memory_space<hbm>>
    %dma_wait3A_275 = arith.constant 0 : i32
    %dma_wait3A_276 = tpu.memref_slice %arg3[%add3A_272, %dma_wait3A_275] : memref<16384x1024xf32, #tpu.memory_space<hbm>> -> memref<32x1024xf32, #tpu.memory_space<hbm>>
    tpu.wait_dma2 semaphore(%arg8 : memref<!tpu.dma_semaphore, #tpu.memory_space<semaphore_mem>>) src(%arg4 : memref<32x1024xf32, #tpu.memory_space<vmem>>) dst(%dma_wait3A_276 : memref<32x1024xf32, #tpu.memory_space<hbm>>)
    %add3A_277 = arith.constant 352 : i32
    %add3A_278 = arith.addi %mul3A_2, %add3A_277 : i32
    %dma_start3A_279 = arith.constant 0 : i32
    %dma_start3A_280 = tpu.memref_slice %arg3[%add3A_278, %dma_start3A_279] : memref<16384x1024xf32, #tpu.memory_space<hbm>> -> memref<32x1024xf32, #tpu.memory_space<hbm>>
    %dma_start3A_281 = arith.constant 0 : i32
    %dma_start3A_282 = tpu.memref_slice %arg3[%add3A_278, %dma_start3A_281] : memref<16384x1024xf32, #tpu.memory_space<hbm>> -> memref<32x1024xf32, #tpu.memory_space<hbm>>
    tpu.enqueue_dma source(%arg5 : memref<32x1024xf32, #tpu.memory_space<vmem>>) target(%dma_start3A_282 : memref<32x1024xf32, #tpu.memory_space<hbm>>) target_semaphore(%arg9 : memref<!tpu.dma_semaphore, #tpu.memory_space<semaphore_mem>>)
    %add3A_283 = arith.constant 384 : i32
    %add3A_284 = arith.addi %mul3A_2, %add3A_283 : i32
    %dma_start3A_285 = arith.constant 0 : i32
    %dma_start3A_286 = tpu.memref_slice %arg2[%add3A_284, %dma_start3A_285] : memref<16384x1024xf32, #tpu.memory_space<hbm>> -> memref<32x1024xf32, #tpu.memory_space<hbm>>
    %dma_start3A_287 = arith.constant 0 : i32
    %dma_start3A_288 = tpu.memref_slice %arg2[%add3A_284, %dma_start3A_287] : memref<16384x1024xf32, #tpu.memory_space<hbm>> -> memref<32x1024xf32, #tpu.memory_space<hbm>>
    tpu.enqueue_dma source(%dma_start3A_288 : memref<32x1024xf32, #tpu.memory_space<hbm>>) target(%arg4 : memref<32x1024xf32, #tpu.memory_space<vmem>>) target_semaphore(%arg6 : memref<!tpu.dma_semaphore, #tpu.memory_space<semaphore_mem>>)
    %add3A_289 = arith.constant 384 : i32
    %add3A_290 = arith.addi %mul3A_2, %add3A_289 : i32
    %dma_wait3A_291 = arith.constant 0 : i32
    %dma_wait3A_292 = tpu.memref_slice %arg2[%add3A_290, %dma_wait3A_291] : memref<16384x1024xf32, #tpu.memory_space<hbm>> -> memref<32x1024xf32, #tpu.memory_space<hbm>>
    %dma_wait3A_293 = arith.constant 0 : i32
    %dma_wait3A_294 = tpu.memref_slice %arg2[%add3A_290, %dma_wait3A_293] : memref<16384x1024xf32, #tpu.memory_space<hbm>> -> memref<32x1024xf32, #tpu.memory_space<hbm>>
    tpu.wait_dma2 semaphore(%arg6 : memref<!tpu.dma_semaphore, #tpu.memory_space<semaphore_mem>>) src(%dma_wait3A_294 : memref<32x1024xf32, #tpu.memory_space<hbm>>) dst(%arg4 : memref<32x1024xf32, #tpu.memory_space<vmem>>)
    %add3A_295 = arith.constant 352 : i32
    %add3A_296 = arith.addi %mul3A_2, %add3A_295 : i32
    %dma_wait3A_297 = arith.constant 0 : i32
    %dma_wait3A_298 = tpu.memref_slice %arg3[%add3A_296, %dma_wait3A_297] : memref<16384x1024xf32, #tpu.memory_space<hbm>> -> memref<32x1024xf32, #tpu.memory_space<hbm>>
    %dma_wait3A_299 = arith.constant 0 : i32
    %dma_wait3A_300 = tpu.memref_slice %arg3[%add3A_296, %dma_wait3A_299] : memref<16384x1024xf32, #tpu.memory_space<hbm>> -> memref<32x1024xf32, #tpu.memory_space<hbm>>
    tpu.wait_dma2 semaphore(%arg9 : memref<!tpu.dma_semaphore, #tpu.memory_space<semaphore_mem>>) src(%arg5 : memref<32x1024xf32, #tpu.memory_space<vmem>>) dst(%dma_wait3A_300 : memref<32x1024xf32, #tpu.memory_space<hbm>>)
    %add3A_301 = arith.constant 384 : i32
    %add3A_302 = arith.addi %mul3A_2, %add3A_301 : i32
    %dma_start3A_303 = arith.constant 0 : i32
    %dma_start3A_304 = tpu.memref_slice %arg3[%add3A_302, %dma_start3A_303] : memref<16384x1024xf32, #tpu.memory_space<hbm>> -> memref<32x1024xf32, #tpu.memory_space<hbm>>
    %dma_start3A_305 = arith.constant 0 : i32
    %dma_start3A_306 = tpu.memref_slice %arg3[%add3A_302, %dma_start3A_305] : memref<16384x1024xf32, #tpu.memory_space<hbm>> -> memref<32x1024xf32, #tpu.memory_space<hbm>>
    tpu.enqueue_dma source(%arg4 : memref<32x1024xf32, #tpu.memory_space<vmem>>) target(%dma_start3A_306 : memref<32x1024xf32, #tpu.memory_space<hbm>>) target_semaphore(%arg8 : memref<!tpu.dma_semaphore, #tpu.memory_space<semaphore_mem>>)
    %add3A_307 = arith.constant 416 : i32
    %add3A_308 = arith.addi %mul3A_2, %add3A_307 : i32
    %dma_start3A_309 = arith.constant 0 : i32
    %dma_start3A_310 = tpu.memref_slice %arg2[%add3A_308, %dma_start3A_309] : memref<16384x1024xf32, #tpu.memory_space<hbm>> -> memref<32x1024xf32, #tpu.memory_space<hbm>>
    %dma_start3A_311 = arith.constant 0 : i32
    %dma_start3A_312 = tpu.memref_slice %arg2[%add3A_308, %dma_start3A_311] : memref<16384x1024xf32, #tpu.memory_space<hbm>> -> memref<32x1024xf32, #tpu.memory_space<hbm>>
    tpu.enqueue_dma source(%dma_start3A_312 : memref<32x1024xf32, #tpu.memory_space<hbm>>) target(%arg5 : memref<32x1024xf32, #tpu.memory_space<vmem>>) target_semaphore(%arg7 : memref<!tpu.dma_semaphore, #tpu.memory_space<semaphore_mem>>)
    %add3A_313 = arith.constant 416 : i32
    %add3A_314 = arith.addi %mul3A_2, %add3A_313 : i32
    %dma_wait3A_315 = arith.constant 0 : i32
    %dma_wait3A_316 = tpu.memref_slice %arg2[%add3A_314, %dma_wait3A_315] : memref<16384x1024xf32, #tpu.memory_space<hbm>> -> memref<32x1024xf32, #tpu.memory_space<hbm>>
    %dma_wait3A_317 = arith.constant 0 : i32
    %dma_wait3A_318 = tpu.memref_slice %arg2[%add3A_314, %dma_wait3A_317] : memref<16384x1024xf32, #tpu.memory_space<hbm>> -> memref<32x1024xf32, #tpu.memory_space<hbm>>
    tpu.wait_dma2 semaphore(%arg7 : memref<!tpu.dma_semaphore, #tpu.memory_space<semaphore_mem>>) src(%dma_wait3A_318 : memref<32x1024xf32, #tpu.memory_space<hbm>>) dst(%arg5 : memref<32x1024xf32, #tpu.memory_space<vmem>>)
    %add3A_319 = arith.constant 384 : i32
    %add3A_320 = arith.addi %mul3A_2, %add3A_319 : i32
    %dma_wait3A_321 = arith.constant 0 : i32
    %dma_wait3A_322 = tpu.memref_slice %arg3[%add3A_320, %dma_wait3A_321] : memref<16384x1024xf32, #tpu.memory_space<hbm>> -> memref<32x1024xf32, #tpu.memory_space<hbm>>
    %dma_wait3A_323 = arith.constant 0 : i32
    %dma_wait3A_324 = tpu.memref_slice %arg3[%add3A_320, %dma_wait3A_323] : memref<16384x1024xf32, #tpu.memory_space<hbm>> -> memref<32x1024xf32, #tpu.memory_space<hbm>>
    tpu.wait_dma2 semaphore(%arg8 : memref<!tpu.dma_semaphore, #tpu.memory_space<semaphore_mem>>) src(%arg4 : memref<32x1024xf32, #tpu.memory_space<vmem>>) dst(%dma_wait3A_324 : memref<32x1024xf32, #tpu.memory_space<hbm>>)
    %add3A_325 = arith.constant 416 : i32
    %add3A_326 = arith.addi %mul3A_2, %add3A_325 : i32
    %dma_start3A_327 = arith.constant 0 : i32
    %dma_start3A_328 = tpu.memref_slice %arg3[%add3A_326, %dma_start3A_327] : memref<16384x1024xf32, #tpu.memory_space<hbm>> -> memref<32x1024xf32, #tpu.memory_space<hbm>>
    %dma_start3A_329 = arith.constant 0 : i32
    %dma_start3A_330 = tpu.memref_slice %arg3[%add3A_326, %dma_start3A_329] : memref<16384x1024xf32, #tpu.memory_space<hbm>> -> memref<32x1024xf32, #tpu.memory_space<hbm>>
    tpu.enqueue_dma source(%arg5 : memref<32x1024xf32, #tpu.memory_space<vmem>>) target(%dma_start3A_330 : memref<32x1024xf32, #tpu.memory_space<hbm>>) target_semaphore(%arg9 : memref<!tpu.dma_semaphore, #tpu.memory_space<semaphore_mem>>)
    %add3A_331 = arith.constant 448 : i32
    %add3A_332 = arith.addi %mul3A_2, %add3A_331 : i32
    %dma_start3A_333 = arith.constant 0 : i32
    %dma_start3A_334 = tpu.memref_slice %arg2[%add3A_332, %dma_start3A_333] : memref<16384x1024xf32, #tpu.memory_space<hbm>> -> memref<32x1024xf32, #tpu.memory_space<hbm>>
    %dma_start3A_335 = arith.constant 0 : i32
    %dma_start3A_336 = tpu.memref_slice %arg2[%add3A_332, %dma_start3A_335] : memref<16384x1024xf32, #tpu.memory_space<hbm>> -> memref<32x1024xf32, #tpu.memory_space<hbm>>
    tpu.enqueue_dma source(%dma_start3A_336 : memref<32x1024xf32, #tpu.memory_space<hbm>>) target(%arg4 : memref<32x1024xf32, #tpu.memory_space<vmem>>) target_semaphore(%arg6 : memref<!tpu.dma_semaphore, #tpu.memory_space<semaphore_mem>>)
    %add3A_337 = arith.constant 448 : i32
    %add3A_338 = arith.addi %mul3A_2, %add3A_337 : i32
    %dma_wait3A_339 = arith.constant 0 : i32
    %dma_wait3A_340 = tpu.memref_slice %arg2[%add3A_338, %dma_wait3A_339] : memref<16384x1024xf32, #tpu.memory_space<hbm>> -> memref<32x1024xf32, #tpu.memory_space<hbm>>
    %dma_wait3A_341 = arith.constant 0 : i32
    %dma_wait3A_342 = tpu.memref_slice %arg2[%add3A_338, %dma_wait3A_341] : memref<16384x1024xf32, #tpu.memory_space<hbm>> -> memref<32x1024xf32, #tpu.memory_space<hbm>>
    tpu.wait_dma2 semaphore(%arg6 : memref<!tpu.dma_semaphore, #tpu.memory_space<semaphore_mem>>) src(%dma_wait3A_342 : memref<32x1024xf32, #tpu.memory_space<hbm>>) dst(%arg4 : memref<32x1024xf32, #tpu.memory_space<vmem>>)
    %add3A_343 = arith.constant 416 : i32
    %add3A_344 = arith.addi %mul3A_2, %add3A_343 : i32
    %dma_wait3A_345 = arith.constant 0 : i32
    %dma_wait3A_346 = tpu.memref_slice %arg3[%add3A_344, %dma_wait3A_345] : memref<16384x1024xf32, #tpu.memory_space<hbm>> -> memref<32x1024xf32, #tpu.memory_space<hbm>>
    %dma_wait3A_347 = arith.constant 0 : i32
    %dma_wait3A_348 = tpu.memref_slice %arg3[%add3A_344, %dma_wait3A_347] : memref<16384x1024xf32, #tpu.memory_space<hbm>> -> memref<32x1024xf32, #tpu.memory_space<hbm>>
    tpu.wait_dma2 semaphore(%arg9 : memref<!tpu.dma_semaphore, #tpu.memory_space<semaphore_mem>>) src(%arg5 : memref<32x1024xf32, #tpu.memory_space<vmem>>) dst(%dma_wait3A_348 : memref<32x1024xf32, #tpu.memory_space<hbm>>)
    %add3A_349 = arith.constant 448 : i32
    %add3A_350 = arith.addi %mul3A_2, %add3A_349 : i32
    %dma_start3A_351 = arith.constant 0 : i32
    %dma_start3A_352 = tpu.memref_slice %arg3[%add3A_350, %dma_start3A_351] : memref<16384x1024xf32, #tpu.memory_space<hbm>> -> memref<32x1024xf32, #tpu.memory_space<hbm>>
    %dma_start3A_353 = arith.constant 0 : i32
    %dma_start3A_354 = tpu.memref_slice %arg3[%add3A_350, %dma_start3A_353] : memref<16384x1024xf32, #tpu.memory_space<hbm>> -> memref<32x1024xf32, #tpu.memory_space<hbm>>
    tpu.enqueue_dma source(%arg4 : memref<32x1024xf32, #tpu.memory_space<vmem>>) target(%dma_start3A_354 : memref<32x1024xf32, #tpu.memory_space<hbm>>) target_semaphore(%arg8 : memref<!tpu.dma_semaphore, #tpu.memory_space<semaphore_mem>>)
    %add3A_355 = arith.constant 480 : i32
    %add3A_356 = arith.addi %mul3A_2, %add3A_355 : i32
    %dma_start3A_357 = arith.constant 0 : i32
    %dma_start3A_358 = tpu.memref_slice %arg2[%add3A_356, %dma_start3A_357] : memref<16384x1024xf32, #tpu.memory_space<hbm>> -> memref<32x1024xf32, #tpu.memory_space<hbm>>
    %dma_start3A_359 = arith.constant 0 : i32
    %dma_start3A_360 = tpu.memref_slice %arg2[%add3A_356, %dma_start3A_359] : memref<16384x1024xf32, #tpu.memory_space<hbm>> -> memref<32x1024xf32, #tpu.memory_space<hbm>>
    tpu.enqueue_dma source(%dma_start3A_360 : memref<32x1024xf32, #tpu.memory_space<hbm>>) target(%arg5 : memref<32x1024xf32, #tpu.memory_space<vmem>>) target_semaphore(%arg7 : memref<!tpu.dma_semaphore, #tpu.memory_space<semaphore_mem>>)
    %add3A_361 = arith.constant 480 : i32
    %add3A_362 = arith.addi %mul3A_2, %add3A_361 : i32
    %dma_wait3A_363 = arith.constant 0 : i32
    %dma_wait3A_364 = tpu.memref_slice %arg2[%add3A_362, %dma_wait3A_363] : memref<16384x1024xf32, #tpu.memory_space<hbm>> -> memref<32x1024xf32, #tpu.memory_space<hbm>>
    %dma_wait3A_365 = arith.constant 0 : i32
    %dma_wait3A_366 = tpu.memref_slice %arg2[%add3A_362, %dma_wait3A_365] : memref<16384x1024xf32, #tpu.memory_space<hbm>> -> memref<32x1024xf32, #tpu.memory_space<hbm>>
    tpu.wait_dma2 semaphore(%arg7 : memref<!tpu.dma_semaphore, #tpu.memory_space<semaphore_mem>>) src(%dma_wait3A_366 : memref<32x1024xf32, #tpu.memory_space<hbm>>) dst(%arg5 : memref<32x1024xf32, #tpu.memory_space<vmem>>)
    %add3A_367 = arith.constant 448 : i32
    %add3A_368 = arith.addi %mul3A_2, %add3A_367 : i32
    %dma_wait3A_369 = arith.constant 0 : i32
    %dma_wait3A_370 = tpu.memref_slice %arg3[%add3A_368, %dma_wait3A_369] : memref<16384x1024xf32, #tpu.memory_space<hbm>> -> memref<32x1024xf32, #tpu.memory_space<hbm>>
    %dma_wait3A_371 = arith.constant 0 : i32
    %dma_wait3A_372 = tpu.memref_slice %arg3[%add3A_368, %dma_wait3A_371] : memref<16384x1024xf32, #tpu.memory_space<hbm>> -> memref<32x1024xf32, #tpu.memory_space<hbm>>
    tpu.wait_dma2 semaphore(%arg8 : memref<!tpu.dma_semaphore, #tpu.memory_space<semaphore_mem>>) src(%arg4 : memref<32x1024xf32, #tpu.memory_space<vmem>>) dst(%dma_wait3A_372 : memref<32x1024xf32, #tpu.memory_space<hbm>>)
    %add3A_373 = arith.constant 480 : i32
    %add3A_374 = arith.addi %mul3A_2, %add3A_373 : i32
    %dma_start3A_375 = arith.constant 0 : i32
    %dma_start3A_376 = tpu.memref_slice %arg3[%add3A_374, %dma_start3A_375] : memref<16384x1024xf32, #tpu.memory_space<hbm>> -> memref<32x1024xf32, #tpu.memory_space<hbm>>
    %dma_start3A_377 = arith.constant 0 : i32
    %dma_start3A_378 = tpu.memref_slice %arg3[%add3A_374, %dma_start3A_377] : memref<16384x1024xf32, #tpu.memory_space<hbm>> -> memref<32x1024xf32, #tpu.memory_space<hbm>>
    tpu.enqueue_dma source(%arg5 : memref<32x1024xf32, #tpu.memory_space<vmem>>) target(%dma_start3A_378 : memref<32x1024xf32, #tpu.memory_space<hbm>>) target_semaphore(%arg9 : memref<!tpu.dma_semaphore, #tpu.memory_space<semaphore_mem>>)
    %add3A_379 = arith.constant 480 : i32
    %add3A_380 = arith.addi %mul3A_2, %add3A_379 : i32
    %dma_wait3A_381 = arith.constant 0 : i32
    %dma_wait3A_382 = tpu.memref_slice %arg3[%add3A_380, %dma_wait3A_381] : memref<16384x1024xf32, #tpu.memory_space<hbm>> -> memref<32x1024xf32, #tpu.memory_space<hbm>>
    %dma_wait3A_383 = arith.constant 0 : i32
    %dma_wait3A_384 = tpu.memref_slice %arg3[%add3A_380, %dma_wait3A_383] : memref<16384x1024xf32, #tpu.memory_space<hbm>> -> memref<32x1024xf32, #tpu.memory_space<hbm>>
    tpu.wait_dma2 semaphore(%arg9 : memref<!tpu.dma_semaphore, #tpu.memory_space<semaphore_mem>>) src(%arg5 : memref<32x1024xf32, #tpu.memory_space<vmem>>) dst(%dma_wait3A_384 : memref<32x1024xf32, #tpu.memory_space<hbm>>)
    return
  }
}

</mosaic_0001>

<sc_bundles>
// kernel: kernel.3.cloned.1.call-start
scs
__scs_entry_jumppad:
0x0: {  	(pc) =	sbr.rel $0x88, $3  }
0x1: {  	(tag) =	ssettag $0x0;
	lr =	simm.s32 $0x1  }
0x2: {  	[smem:$0x3FA0] =	sst lr;
	_ =	strace $0xD0000000  }
0x3: {  	_ = 	snop  }
0x4: {  	_ = 	snop  }
0x5: {  	_ = 	snop  }
0x6: {  	_ = 	snop  }
0x7: {  	_ = 	snop  }
__scs_overlays_trampoline_lowered:
0x8: {  	[smem:$0x3FAF] =	sst s0  }
0x9: {  	[smem:$0x3FB0] =	sst s1  }
0xa: {  	[smem:$0x3FB1] =	sst s2  }
0xb: {  	[smem:$0x3FB2] =	sst s3  }
0xc: {  	[smem:$0x3FB3] =	sst s4  }
0xd: {  	[smem:$0x3FB4] =	sst s5  }
0xe: {  	[smem:$0x3FB5] =	sst s6  }
0xf: {  	[smem:$0x3FB6] =	sst s7  }
0x10: {  	[smem:$0x3FB7] =	sst s8  }
0x11: {  	[smem:$0x3FB8] =	sst s9;
	s0 =	simm.s32 @!p0 $0x0  }
0x12: {  	s1 =	sld [smem:$0x3F9E];
	s0 =	simm.s32 @p0 $0x1  }
0x13: {  	[smem:$0x3FB9] =	sst s0;
	s0 =	simm.s32 @!p1 $0x0  }
0x14: {  	s2 =	sld [smem:$0x3F9D];
	s0 =	simm.s32 @p1 $0x1  }
0x15: {  	[smem:$0x3FBA] =	sst s0;
	s0 =	simm.s32 @!p2 $0x0  }
0x16: {  	s3 =	sld [smem:$0x3FDB];
	s0 =	simm.s32 @p2 $0x1  }
0x17: {  	s4 =	simm.s32 $0x1BF5;
	[smem:$0x3FBC] =	sst s0  }
0x18: {  	s0 =	sld [smem:$0x3F9F];
	_ =	swait.ge [sflag:s4], $0x0  }
0x19: {  	s7 =	sld [smem:$0x3FA0]  }
0x1a: {  	s8 =	sadd.s32 $0xFFFFE003, lr  }
0x1b: {  	s9 =	sadd.s32 $0xFFFFFEF7, lr;
	s5 =	simm.s32 $0xFFFFFFFF;
	p2 =	slt.u32 s8, $0xFFFFF086  }
0x1c: {  	p1 =	slt.u32 s9, $0xF7A;
	s5 =	simm.s32 @!p2 $0x0  }
0x1d: {  	s5 =	simm.s32 @p1 $0x1;
	p0 =	seq.s32 s7, s2  }
0x1e: {  	s7 =	smul.u32 @!p0 $0xF7A, s2;
	p2 =	seq.s32 @!p0 s5, $0x0  }
0x1f: {  	s9 =	smul.u32 $0xF7A, s1;
	s8 =	simm.s32 @!p0 $0x1BF5;
	p2 =	por !p2, p0  }
0x20: {  	[sflag:s8] =	ssyncset.s32 @!p0 $0xFFFFF086;
	s6 =	sadd.s32 @!p0 s3, s7;
	s7 =	simm.s32 @!p0 $0x108  }
0x21: {  	s3 =	sadd.s32 s3, s9;
	s6 =	sadd.s32 @!p0 $0x88, s6;
	s7 =	simm.s32 @p2 $0x1082  }
0x22: {  	[simem:s7], [sflag:s8] =	dma.local @!p0 [hbm:s6], $0xF7A  }
0x23: {  	s9 =	sor.u32 $0xD0000000, s2;
	s6 =	simm.s32 $0x108;
	_ =	swait.ge @!p0 [sflag:s8], $0x0  }
0x24: {  	s3 =	sadd.s32 $0x88, s3;
	s6 =	simm.s32 @!p1 $0x1082;
	[sflag:s4] =	ssyncset.s32 $0xFFFFF086  }
0x25: {  	[simem:s6], [sflag:s4] =	dma.local [hbm:s3], $0xF7A  }
0x26: {  	[smem:$0x3FA0] =	sst s1;
	(tag) =	ssettag s2;
	_ =	strace s9  }
0x27: {  	s1 =	sld [smem:$0x3FB0]  }
0x28: {  	s2 =	sld [smem:$0x3FB1]  }
0x29: {  	s4 =	sld [smem:$0x3FB3]  }
0x2a: {  	p0 =	seq.s32 s5, $0x0;
	s5 =	sld [smem:$0x3FB4]  }
0x2b: {  	s6 =	sld [smem:$0x3FB5]  }
0x2c: {  	s7 =	sld [smem:$0x3FB6]  }
0x2d: {  	s3 =	simm.s32 $0x108;
	s8 =	sld [smem:$0x3FB7]  }
0x2e: {  	s3 =	simm.s32 @!p0 $0x1082;
	s9 =	sld [smem:$0x3FB8]  }
0x2f: {  	lr =	sadd.s32 s0, s3;
	s0 =	sld [smem:$0x3FAF]  }
0x30: {  	s3 =	sld [smem:$0x3FB2]  }
0x31: {  	[smem:$0x3FBB] =	sst s10  }
0x32: {  	s10 =	sld [smem:$0x3FB9];
	_ =	sdelay $0x3  }
0x33: {  	p0 =	seq.s32 s10, $0x1;
	s10 =	sld [smem:$0x3FBB];
	_ =	sdelay $0x3  }
0x34: {  	[smem:$0x3FBB] =	sst s10  }
0x35: {  	s10 =	sld [smem:$0x3FBA];
	_ =	sdelay $0x3  }
0x36: {  	p1 =	seq.s32 s10, $0x1;
	s10 =	sld [smem:$0x3FBB];
	_ =	sdelay $0x3  }
0x37: {  	[smem:$0x3FBB] =	sst s10  }
0x38: {  	s10 =	sld [smem:$0x3FBC]  }
0x39: {  	_ = 	snop;
	(pc) =	sbr.ind lr, $3  }
0x3a: {  	_ = 	snop  }
0x3b: {  	_ = 	snop  }
0x3c: {  	p2 =	seq.s32 s10, $0x1;
	s10 =	sld [smem:$0x3FBB]  }
0x3d: {  	_ =	shalt  }
0x3e: {  	_ =	shalt  }
0x3f: {  	_ =	shalt  }
0x40: {  	_ =	shalt  }
0x41: {  	_ =	shalt  }
0x42: {  	_ =	shalt  }
0x43: {  	_ =	shalt  }
0x44: {  	_ =	shalt  }
0x45: {  	_ =	shalt  }
0x46: {  	_ =	shalt  }
0x47: {  	_ =	shalt  }
0x48: {  	_ =	shalt  }
0x49: {  	_ =	shalt  }
0x4a: {  	_ =	shalt  }
0x4b: {  	_ =	shalt  }
0x4c: {  	_ =	shalt  }
0x4d: {  	_ =	shalt  }
0x4e: {  	_ =	shalt  }
0x4f: {  	_ =	shalt  }
0x50: {  	_ =	shalt  }
0x51: {  	_ =	shalt  }
0x52: {  	_ =	shalt  }
0x53: {  	_ =	shalt  }
0x54: {  	_ =	shalt  }
0x55: {  	_ =	shalt  }
0x56: {  	_ =	shalt  }
0x57: {  	_ =	shalt  }
0x58: {  	_ =	shalt  }
0x59: {  	_ =	shalt  }
0x5a: {  	_ =	shalt  }
0x5b: {  	_ =	shalt  }
0x5c: {  	_ =	shalt  }
0x5d: {  	_ =	shalt  }
0x5e: {  	_ =	shalt  }
0x5f: {  	_ =	shalt  }
0x60: {  	_ =	shalt  }
0x61: {  	_ =	shalt  }
0x62: {  	_ =	shalt  }
0x63: {  	_ =	shalt  }
0x64: {  	_ =	shalt  }
0x65: {  	_ =	shalt  }
0x66: {  	_ =	shalt  }
0x67: {  	_ =	shalt  }
0x68: {  	_ =	shalt  }
0x69: {  	_ =	shalt  }
0x6a: {  	_ =	shalt  }
0x6b: {  	_ =	shalt  }
0x6c: {  	_ =	shalt  }
0x6d: {  	_ =	shalt  }
0x6e: {  	_ =	shalt  }
0x6f: {  	_ =	shalt  }
0x70: {  	_ =	shalt  }
0x71: {  	_ =	shalt  }
0x72: {  	_ =	shalt  }
0x73: {  	_ =	shalt  }
0x74: {  	_ =	shalt  }
0x75: {  	_ =	shalt  }
0x76: {  	_ =	shalt  }
0x77: {  	_ =	shalt  }
0x78: {  	_ =	shalt  }
0x79: {  	_ =	shalt  }
0x7a: {  	_ =	shalt  }
0x7b: {  	_ =	shalt  }
0x7c: {  	_ =	shalt  }
0x7d: {  	_ =	shalt  }
0x7e: {  	_ =	shalt  }
0x7f: {  	_ =	shalt  }
0x80: {  	_ =	shalt  }
0x81: {  	_ =	shalt  }
0x82: {  	_ =	shalt  }
0x83: {  	_ =	shalt  }
0x84: {  	_ =	shalt  }
0x85: {  	_ =	shalt  }
0x86: {  	_ =	shalt  }
0x87: {  	_ =	shalt  }
.Lfunc_end0:
.L_simem_size_0:
called_computation_lowered:
.L_overlay_start_0:
0x88: {  	s2 =	sld [smem:$0x3FD9]  }
0x89: {  	s3 =	sld [smem:$0x3FFE];
	_ =	sdelay $0x1  }
0x8a: {  	s1 =	srdreg.scid  }
0x8b: {  	s0 =	sand.u32 $0x1, s1  }
0x8c: {  	s18 =	sshll.u32 s0, $0xA;
	s2 =	sadd.s32 s3, s2  }
0x8d: {  	s2 =	sadd.s32 s2, s18  }
0x8e: {  	[smem:$0x3FC7] =	sst s2  }
0x8f: {  	_ = 	snop  }
0x90: {  	s2 =	sld [smem:$0x3FC9]  }
0x91: {  	s19 =	sld [smem:$0x3FD0];
	(tm) =	ssettm $0x1  }
0x92: {  	s4 =	sld [smem:$0x3FFB];
	_ =	sdelay $0x3  }
0x93: {  	_ =	strace s4  }
0x94: {  	s4 =	sld [smem:$0x3FFC];
	_ =	sdelay $0x3  }
0x95: {  	_ =	strace s4  }
0x96: {  	s4 =	sld [smem:$0x3FFD];
	_ =	sdelay $0x3  }
0x97: {  	_ =	strace s4  }
0x98: {  	_ =	strace $0x8FFFFFFF  }
0x99: {  	s20 =	sld [smem:$0x3FDB];
	_ =	sdelay $0x1  }
0x9a: {  	s5 =	simm.s32 $_scs_section_size  }
0x9b: {  	s6 =	simm.s32 $_size__tile_overlayer_lowered;
	s7 =	simm.s32 $_tile_overlayer_lowered  }
0x9c: {  	s23 =	simm.s32 $0x1BFF;
	s22 =	sshll.u32 s7, $0x1;
	s4 =	sadd.s32 s5, s20  }
0x9d: {  	s8 =	simm.s32 $0x0;
	s21 =	sshll.u32 s6, $0x1;
	s6 =	sadd.s32 s22, s4  }
0x9e: {  	[timem:s8], [sflag:s23] =	dma.local [hbm:s6], s21  }
0x9f: {  	_ =	swait.ge [sflag:s23], s21  }
0xa0: {  	s5 =	ssub.s32 $0x0, s21;
	[sflag:s23] =	ssyncset.done $0x0  }
0xa1: {  	[sflag:s23] =	ssyncadd.s32 s5;
	_ =	sdelay $0x1  }
0xa2: {  	s24 =	simm.s32 $0x1B8B  }
0xa3: {  	_ =	swait.ge [sflag:s24], $0x1  }
0xa4: {  	[sflag:s24] =	ssyncset.done $0x0  }
0xa5: {  	s25 =	simm.s32 $0x1B8E;
	[sflag:s24] =	ssyncadd.s32 $0xFFFFFFFF  }
0xa6: {  	s26 =	simm.s32 $execute0_lowered;
	[smem:$0x3FD2] =	sst s25  }
0xa7: {  	s5 =	sshll.u32 s26, $0x1;
	_ =	strace $0x80000046;
	[dreg:$0x1] =	wrdreg $0xFFFFFFFF  }
0xa8: {  	s28 =	simm.s32 $_size_execute0_lowered;
	s4 =	sadd.s32 s4, s5;
	[dreg:$0x0] =	wrdreg $0x0  }
0xa9: {  	s5 =	sshll.u32 s28, $0x1;
	[dreg:$0x2] =	wrdreg s4  }
0xaa: {  	[dreg:$0x3] =	wrdreg s5  }
0xab: {  	[dreg:$0x4] =	wrdreg $0xC0  }
0xac: {  	_ =	task [dreg:s8], $0x5FFFF  }
0xad: {  	[dreg:$0x1] =	wrdreg $0xFFFFFFFF  }
0xae: {  	[dreg:$0x0] =	wrdreg $0x60  }
0xaf: {  	[dreg:$0x2] =	wrdreg s2  }
0xb0: {  	[dreg:$0x3] =	wrdreg s19  }
0xb1: {  	[dreg:$0x4] =	wrdreg $0x9  }
0xb2: {  	_ =	task.clear_ibuf [dreg:s8], $0x5FFFF;
	_ =	strace $0x90000046  }
0xb3: {  	s29 =	simm.s32 $0x9;
	_ =	strace $0x80000048  }
0xb4: {  	_ =	swait.ge [sflag:s29], $0x1  }
0xb5: {  	[sflag:s29] =	ssyncadd.s32 $0xFFFFFFFF  }
0xb6: {  	_ =	strace $0x90000048  }
0xb7: {  	_ =	sfence  }
0xb8: {  	s30 =	sld [smem:$0x0];
	_ =	sdelay $0x2  }
0xb9: {  	s31 =	sshll.u32 s1, $0xD;
	s1 =	sshrl.u32 s1, $0x2  }
0xba: {  	s3 =	sand.u32 $0x4000, s31;
	s1 =	sadd.s32 s1, s30  }
0xbb: {  	s0 =	sor.u32 s3, s0;
	s1 =	sshll.u32 s1, $0x11  }
0xbc: {  	s0 =	sor.u32 s1, s0  }
0xbd: {  	s0 =	sadd.s32 $0x8F2B, s0  }
0xbe: {  	[sflag:s0] =	ssyncadd.remote.s32 $0x1  }
0xbf: {  	_ =	sfence.sel $0xFFFF  }
0xc0: {  	[dreg:$0x0] =	wrdreg $0xFFFFFFFF;
	(pc) =	sbr.abs _section_cstart, $3  }
0xc1: {  	[dreg:$0x1] =	wrdreg $0xFFFFFFFF  }
0xc2: {  	_ =	task.clear_ibuf [dreg:s8], $0x2FFFF;
	_ =	strace $0x9FFFFFFF  }
0xc3: {  	(tm) =	ssettm $0x7FFFFFFF  }
tec
execute0_lowered:
.L_overlay_start_1:
0x0: {  	(tag) =	ssettag $0x1  }
0x1: {  	s0 =	rddreg [dreg:$0x0]  }
0x2: {  	s8 =	rddreg [dreg:$0x1]  }
0x3: {  	s1 =	srdreg.scid;
	s5 =	stileid.u32  }
0x4: {  	s2 =	simm.s32 $0x0;
	p0 =	por $0x0, $0x0;
	s1 =	sand.u32 $0x1, s1  }
0x5: {  	s31 =	simm.s32 $0x1;
	s5 =	sshll.u32 s5, $0x10;
	s4 =	sshll.u32 s1, $0x14  }
0x6: {  	[smem:$0x7FF] =	sst s2;
	s1 =	ssub.s32 $0x2, s1;
	s9 =	sor.u32 s5, s4  }
0x7: {  	_ =	strace $0x80000047;
	s7 =	sshrl.u32 s1, $0x1;
	s4 =	sadd.s32 s0, s9  }
0x8: {  	s19 =	sadd.s32 s8, s9;
	s6 =	sor.u32 $0x1000, s9;
	s22 =	sor.u32 $0x2000, s9  }
0x9: {  	s25 =	sor.u32 $0x3000, s9;
	s5 =	sor.u32 $0x4000, s9;
	s1 =	ssub.s32 s1, s7  }
0xa: {  	s11 =	sor.u32 $0x5000, s9;
	s12 =	sor.u32 $0x6000, s9;
	s13 =	sor.u32 $0x7000, s9  }
0xb: {  	s14 =	sor.u32 $0x8000, s9;
	s15 =	sor.u32 $0x9000, s9;
	s16 =	sor.u32 $0xA000, s9  }
0xc: {  	s17 =	sor.u32 $0xB000, s9;
	s7 =	sor.u32 $0xE000, s9;
	[dreg:$0x3] =	wrdreg s4  }
0xd: {  	[dreg:$0x4] =	wrdreg s19;
	s20 =	sadd.s32 s0, s6;
	s21 =	sadd.s32 s8, s6  }
0xe: {  	s23 =	sadd.s32 s0, s22;
	s24 =	sadd.s32 s8, s22;
	s26 =	sadd.s32 s0, s25  }
0xf: {  	s3 =	sadd.s32 s8, s25;
	s10 =	sadd.s32 s0, s5;
	[dreg:$0x5] =	wrdreg s20  }
0x10: {  	s30 =	sadd.s32 s8, s5;
	s28 =	sadd.s32 s8, s11;
	[dreg:$0x6] =	wrdreg s21  }
0x11: {  	s29 =	sadd.s32 s0, s12;
	s25 =	sadd.s32 s8, s12;
	[dreg:$0x7] =	wrdreg s23  }
0x12: {  	s22 =	sadd.s32 s0, s15;
	s19 =	sadd.s32 s8, s15;
	[dreg:$0x8] =	wrdreg s24  }
0x13: {  	s4 =	sadd.s32 s8, s16;
	s18 =	sadd.s32 s0, s17;
	[dreg:$0x9] =	wrdreg s26  }
0x14: {  	s5 =	sor.u32 $0xC000, s9;
	s6 =	sor.u32 $0xD000, s9;
	[dreg:$0xa] =	wrdreg s3  }
0x15: {  	s12 =	sadd.s32 s0, s7;
	[dreg:$0xb] =	wrdreg s10;
	s3 =	sadd.s32 s0, s11  }
0x16: {  	s26 =	sadd.s32 s0, s13;
	s23 =	sadd.s32 s8, s13;
	s24 =	sadd.s32 s0, s14  }
0x17: {  	s21 =	sadd.s32 s8, s14;
	s20 =	sadd.s32 s0, s16;
	s14 =	smax.u32 s1, $0x1  }
0x18: {  	[dreg:$0xd] =	wrdreg s4;
	s16 =	sadd.s32 s8, s17;
	p1 =	sne.s32 s14, $0x1  }
.Ltmp0:
0x19: {  	s17 =	sadd.s32 s0, s5;
	s13 =	sadd.s32 s8, s5;
	(pc) =	sbr.rel @!p1 .LBB2_3-.Ltmp0, $4  }
0x1a: {  	s15 =	sadd.s32 s0, s6;
	s10 =	sadd.s32 s8, s6;
	s5 =	sadd.s32 s8, s7  }
0x1b: {  	s11 =	sor.u32 $0xF000, s9;
	s6 =	simm.s32 $0x8000;
	s7 =	simm.s32 $0x4  }
0x1c: {  	s1 =	rddreg [dreg:$0x3];
	s9 =	sadd.s32 s0, s11;
	s4 =	sadd.s32 s8, s11  }
0x1d: {  	s14 =	sadd.s32 $0xFFFFFFFF, s14;
	s11 =	simm.s32 $0x2;
	s8 =	simm.s32 $0x3  }
0x1e: {  	[tilespmem:s2], [sflag:$0x1] =	stream.linear.gather [hbm4b:s1+s2], $0x8000, $0x38;
	[tilespmem:$0x10000] =	vst v63  }
0x1f: {  	_ =	swait.ge [sflag:s31], $0x8000  }
0x20: {  	[sflag:s31] =	ssyncset.done $0x0  }
0x21: {  	s1 =	rddreg [dreg:$0x4];
	[sflag:s31] =	ssyncadd.s32 $0xFFFF8000  }
0x22: {  	[hbm4b:s1+s2] =	stream.linear.scatter [tilespmem:s2], [sflag:$0x3], $0x8000, $0x38;
	[tilespmem:$0x10000] =	vst v63  }
0x23: {  	s0 =	rddreg [dreg:$0x5]  }
0x24: {  	[tilespmem:s6], [sflag:$0x2] =	stream.linear.gather [hbm4b:s0+s2], $0x8000, $0x38;
	[tilespmem:$0x10000] =	vst v63  }
0x25: {  	_ =	swait.ge [sflag:s11], $0x8000  }
0x26: {  	[sflag:s11] =	ssyncset.done $0x0  }
0x27: {  	[sflag:s11] =	ssyncadd.s32 $0xFFFF8000  }
0x28: {  	_ =	swait.ge [sflag:s8], $0x8000  }
0x29: {  	[sflag:s8] =	ssyncset.done $0x0  }
0x2a: {  	s0 =	rddreg [dreg:$0x6];
	[sflag:s8] =	ssyncadd.s32 $0xFFFF8000  }
0x2b: {  	[hbm4b:s0+s2] =	stream.linear.scatter [tilespmem:s6], [sflag:$0x4], $0x8000, $0x38;
	[tilespmem:$0x10000] =	vst v63  }
0x2c: {  	s1 =	rddreg [dreg:$0x7]  }
0x2d: {  	[tilespmem:s2], [sflag:$0x1] =	stream.linear.gather [hbm4b:s1+s2], $0x8000, $0x38;
	[tilespmem:$0x10000] =	vst v63  }
0x2e: {  	_ =	swait.ge [sflag:s31], $0x8000  }
0x2f: {  	[sflag:s31] =	ssyncset.done $0x0  }
0x30: {  	[sflag:s31] =	ssyncadd.s32 $0xFFFF8000  }
0x31: {  	_ =	swait.ge [sflag:s7], $0x8000  }
0x32: {  	[sflag:s7] =	ssyncset.done $0x0  }
0x33: {  	s0 =	rddreg [dreg:$0x8];
	[sflag:s7] =	ssyncadd.s32 $0xFFFF8000  }
0x34: {  	[hbm4b:s0+s2] =	stream.linear.scatter [tilespmem:s2], [sflag:$0x3], $0x8000, $0x38;
	[tilespmem:$0x10000] =	vst v63  }
0x35: {  	s1 =	rddreg [dreg:$0x9]  }
0x36: {  	[tilespmem:s6], [sflag:$0x2] =	stream.linear.gather [hbm4b:s1+s2], $0x8000, $0x38;
	[tilespmem:$0x10000] =	vst v63  }
0x37: {  	_ =	swait.ge [sflag:s11], $0x8000  }
0x38: {  	[sflag:s11] =	ssyncset.done $0x0  }
0x39: {  	[sflag:s11] =	ssyncadd.s32 $0xFFFF8000  }
0x3a: {  	_ =	swait.ge [sflag:s8], $0x8000  }
0x3b: {  	[sflag:s8] =	ssyncset.done $0x0  }
0x3c: {  	s0 =	rddreg [dreg:$0xa];
	[sflag:s8] =	ssyncadd.s32 $0xFFFF8000  }
0x3d: {  	[hbm4b:s0+s2] =	stream.linear.scatter [tilespmem:s6], [sflag:$0x4], $0x8000, $0x38;
	[tilespmem:$0x10000] =	vst v63  }
0x3e: {  	s1 =	rddreg [dreg:$0xb]  }
0x3f: {  	[tilespmem:s2], [sflag:$0x1] =	stream.linear.gather [hbm4b:s1+s2], $0x8000, $0x38;
	[tilespmem:$0x10000] =	vst v63  }
0x40: {  	_ =	swait.ge [sflag:s31], $0x8000  }
0x41: {  	[sflag:s31] =	ssyncset.done $0x0  }
0x42: {  	[sflag:s31] =	ssyncadd.s32 $0xFFFF8000  }
0x43: {  	_ =	swait.ge [sflag:s7], $0x8000  }
0x44: {  	[sflag:s7] =	ssyncset.done $0x0  }
0x45: {  	[sflag:s7] =	ssyncadd.s32 $0xFFFF8000  }
0x46: {  	[hbm4b:s30+s2] =	stream.linear.scatter [tilespmem:s2], [sflag:$0x3], $0x8000, $0x38;
	[tilespmem:$0x10000] =	vst v63  }
0x47: {  	_ = 	snop  }
0x48: {  	[tilespmem:s6], [sflag:$0x2] =	stream.linear.gather [hbm4b:s3+s2], $0x8000, $0x38;
	[tilespmem:$0x10000] =	vst v63  }
0x49: {  	_ =	swait.ge [sflag:s11], $0x8000  }
0x4a: {  	[sflag:s11] =	ssyncset.done $0x0  }
0x4b: {  	[sflag:s11] =	ssyncadd.s32 $0xFFFF8000  }
0x4c: {  	_ =	swait.ge [sflag:s8], $0x8000  }
0x4d: {  	[sflag:s8] =	ssyncset.done $0x0  }
0x4e: {  	[sflag:s8] =	ssyncadd.s32 $0xFFFF8000  }
0x4f: {  	[hbm4b:s28+s2] =	stream.linear.scatter [tilespmem:s6], [sflag:$0x4], $0x8000, $0x38;
	[tilespmem:$0x10000] =	vst v63  }
0x50: {  	_ = 	snop  }
0x51: {  	[tilespmem:s2], [sflag:$0x1] =	stream.linear.gather [hbm4b:s29+s2], $0x8000, $0x38;
	[tilespmem:$0x10000] =	vst v63  }
0x52: {  	_ =	swait.ge [sflag:s31], $0x8000  }
0x53: {  	[sflag:s31] =	ssyncset.done $0x0  }
0x54: {  	[sflag:s31] =	ssyncadd.s32 $0xFFFF8000  }
0x55: {  	_ =	swait.ge [sflag:s7], $0x8000  }
0x56: {  	[sflag:s7] =	ssyncset.done $0x0  }
0x57: {  	[sflag:s7] =	ssyncadd.s32 $0xFFFF8000  }
0x58: {  	[hbm4b:s25+s2] =	stream.linear.scatter [tilespmem:s2], [sflag:$0x3], $0x8000, $0x38;
	[tilespmem:$0x10000] =	vst v63  }
0x59: {  	_ = 	snop  }
0x5a: {  	[tilespmem:s6], [sflag:$0x2] =	stream.linear.gather [hbm4b:s26+s2], $0x8000, $0x38;
	[tilespmem:$0x10000] =	vst v63  }
0x5b: {  	_ =	swait.ge [sflag:s11], $0x8000  }
0x5c: {  	[sflag:s11] =	ssyncset.done $0x0  }
0x5d: {  	[sflag:s11] =	ssyncadd.s32 $0xFFFF8000  }
0x5e: {  	_ =	swait.ge [sflag:s8], $0x8000  }
0x5f: {  	[sflag:s8] =	ssyncset.done $0x0  }
0x60: {  	[sflag:s8] =	ssyncadd.s32 $0xFFFF8000  }
0x61: {  	[hbm4b:s23+s2] =	stream.linear.scatter [tilespmem:s6], [sflag:$0x4], $0x8000, $0x38;
	[tilespmem:$0x10000] =	vst v63  }
0x62: {  	_ = 	snop  }
0x63: {  	[tilespmem:s2], [sflag:$0x1] =	stream.linear.gather [hbm4b:s24+s2], $0x8000, $0x38;
	[tilespmem:$0x10000] =	vst v63  }
0x64: {  	_ =	swait.ge [sflag:s31], $0x8000  }
0x65: {  	[sflag:s31] =	ssyncset.done $0x0  }
0x66: {  	[sflag:s31] =	ssyncadd.s32 $0xFFFF8000  }
0x67: {  	_ =	swait.ge [sflag:s7], $0x8000  }
0x68: {  	[sflag:s7] =	ssyncset.done $0x0  }
0x69: {  	[sflag:s7] =	ssyncadd.s32 $0xFFFF8000  }
0x6a: {  	[hbm4b:s21+s2] =	stream.linear.scatter [tilespmem:s2], [sflag:$0x3], $0x8000, $0x38;
	[tilespmem:$0x10000] =	vst v63  }
0x6b: {  	_ = 	snop  }
0x6c: {  	[tilespmem:s6], [sflag:$0x2] =	stream.linear.gather [hbm4b:s22+s2], $0x8000, $0x38;
	[tilespmem:$0x10000] =	vst v63  }
0x6d: {  	_ =	swait.ge [sflag:s11], $0x8000  }
0x6e: {  	[sflag:s11] =	ssyncset.done $0x0  }
0x6f: {  	[sflag:s11] =	ssyncadd.s32 $0xFFFF8000  }
0x70: {  	_ =	swait.ge [sflag:s8], $0x8000  }
0x71: {  	[sflag:s8] =	ssyncset.done $0x0  }
0x72: {  	[sflag:s8] =	ssyncadd.s32 $0xFFFF8000  }
0x73: {  	[hbm4b:s19+s2] =	stream.linear.scatter [tilespmem:s6], [sflag:$0x4], $0x8000, $0x38;
	[tilespmem:$0x10000] =	vst v63  }
0x74: {  	_ = 	snop  }
0x75: {  	[tilespmem:s2], [sflag:$0x1] =	stream.linear.gather [hbm4b:s20+s2], $0x8000, $0x38;
	[tilespmem:$0x10000] =	vst v63  }
0x76: {  	_ =	swait.ge [sflag:s31], $0x8000  }
0x77: {  	[sflag:s31] =	ssyncset.done $0x0  }
0x78: {  	[sflag:s31] =	ssyncadd.s32 $0xFFFF8000  }
0x79: {  	_ =	swait.ge [sflag:s7], $0x8000  }
0x7a: {  	[sflag:s7] =	ssyncset.done $0x0  }
0x7b: {  	s1 =	rddreg [dreg:$0xd];
	[sflag:s7] =	ssyncadd.s32 $0xFFFF8000  }
0x7c: {  	[hbm4b:s1+s2] =	stream.linear.scatter [tilespmem:s2], [sflag:$0x3], $0x8000, $0x38;
	[tilespmem:$0x10000] =	vst v63  }
0x7d: {  	_ = 	snop  }
0x7e: {  	[tilespmem:s6], [sflag:$0x2] =	stream.linear.gather [hbm4b:s18+s2], $0x8000, $0x38;
	[tilespmem:$0x10000] =	vst v63  }
0x7f: {  	_ =	swait.ge [sflag:s11], $0x8000  }
0x80: {  	[sflag:s11] =	ssyncset.done $0x0  }
0x81: {  	[sflag:s11] =	ssyncadd.s32 $0xFFFF8000  }
0x82: {  	_ =	swait.ge [sflag:s8], $0x8000  }
0x83: {  	[sflag:s8] =	ssyncset.done $0x0  }
0x84: {  	[sflag:s8] =	ssyncadd.s32 $0xFFFF8000  }
0x85: {  	[hbm4b:s16+s2] =	stream.linear.scatter [tilespmem:s6], [sflag:$0x4], $0x8000, $0x38;
	[tilespmem:$0x10000] =	vst v63  }
0x86: {  	_ = 	snop  }
0x87: {  	[tilespmem:s2], [sflag:$0x1] =	stream.linear.gather [hbm4b:s17+s2], $0x8000, $0x38;
	[tilespmem:$0x10000] =	vst v63  }
0x88: {  	_ =	swait.ge [sflag:s31], $0x8000  }
0x89: {  	[sflag:s31] =	ssyncset.done $0x0  }
0x8a: {  	[sflag:s31] =	ssyncadd.s32 $0xFFFF8000  }
0x8b: {  	_ =	swait.ge [sflag:s7], $0x8000  }
0x8c: {  	[sflag:s7] =	ssyncset.done $0x0  }
0x8d: {  	[sflag:s7] =	ssyncadd.s32 $0xFFFF8000  }
0x8e: {  	[hbm4b:s13+s2] =	stream.linear.scatter [tilespmem:s2], [sflag:$0x3], $0x8000, $0x38;
	[tilespmem:$0x10000] =	vst v63  }
0x8f: {  	_ = 	snop  }
0x90: {  	[tilespmem:s6], [sflag:$0x2] =	stream.linear.gather [hbm4b:s15+s2], $0x8000, $0x38;
	[tilespmem:$0x10000] =	vst v63  }
0x91: {  	_ =	swait.ge [sflag:s11], $0x8000  }
0x92: {  	[sflag:s11] =	ssyncset.done $0x0  }
0x93: {  	[sflag:s11] =	ssyncadd.s32 $0xFFFF8000  }
0x94: {  	_ =	swait.ge [sflag:s8], $0x8000  }
0x95: {  	[sflag:s8] =	ssyncset.done $0x0  }
0x96: {  	[sflag:s8] =	ssyncadd.s32 $0xFFFF8000  }
0x97: {  	[hbm4b:s10+s2] =	stream.linear.scatter [tilespmem:s6], [sflag:$0x4], $0x8000, $0x38;
	[tilespmem:$0x10000] =	vst v63  }
0x98: {  	_ = 	snop  }
0x99: {  	[tilespmem:s2], [sflag:$0x1] =	stream.linear.gather [hbm4b:s12+s2], $0x8000, $0x38;
	[tilespmem:$0x10000] =	vst v63  }
0x9a: {  	_ =	swait.ge [sflag:s31], $0x8000  }
0x9b: {  	[sflag:s31] =	ssyncset.done $0x0  }
0x9c: {  	[sflag:s31] =	ssyncadd.s32 $0xFFFF8000  }
0x9d: {  	_ =	swait.ge [sflag:s7], $0x8000  }
0x9e: {  	[sflag:s7] =	ssyncset.done $0x0  }
0x9f: {  	[sflag:s7] =	ssyncadd.s32 $0xFFFF8000  }
0xa0: {  	[hbm4b:s5+s2] =	stream.linear.scatter [tilespmem:s2], [sflag:$0x3], $0x8000, $0x38;
	[tilespmem:$0x10000] =	vst v63  }
0xa1: {  	_ = 	snop  }
0xa2: {  	[tilespmem:s6], [sflag:$0x2] =	stream.linear.gather [hbm4b:s9+s2], $0x8000, $0x38;
	[tilespmem:$0x10000] =	vst v63  }
0xa3: {  	_ =	swait.ge [sflag:s11], $0x8000  }
0xa4: {  	[sflag:s11] =	ssyncset.done $0x0  }
0xa5: {  	[sflag:s11] =	ssyncadd.s32 $0xFFFF8000  }
0xa6: {  	p1 =	sne.s32 s14, $0x1;
	_ =	swait.ge [sflag:s8], $0x8000  }
.Ltmp1:
0xa7: {  	[sflag:s8] =	ssyncset.done $0x0;
	(pc) =	sbr.rel @!p1 .LBB2_3-.Ltmp1, $4  }
0xa8: {  	[sflag:s8] =	ssyncadd.s32 $0xFFFF8000  }
0xa9: {  	[hbm4b:s4+s2] =	stream.linear.scatter [tilespmem:s6], [sflag:$0x4], $0x8000, $0x38;
	[tilespmem:$0x10000] =	vst v63  }
0xaa: {  	p0 =	por $0x1, $0x1;
	_ =	swait.ge [sflag:s7], $0x8000;
	[dreg:$0xc] =	wrdreg s3  }
0xab: {  	s0 =	sadd.s32 $0xFFFFFFFF, s14;
	s1 =	rddreg [dreg:$0x3];
	[sflag:s7] =	ssyncset.done $0x0  }
.LBB2_2:
0xac: {  	[sflag:s7] =	ssyncadd.s32 $0xFFFF8000  }
0xad: {  	[tilespmem:s2], [sflag:$0x1] =	stream.linear.gather [hbm4b:s1+s2], $0x8000, $0x38;
	[tilespmem:$0x10000] =	vst v63  }
0xae: {  	_ =	swait.ge [sflag:s31], $0x8000  }
0xaf: {  	[sflag:s31] =	ssyncset.done $0x0  }
0xb0: {  	s1 =	rddreg [dreg:$0x4];
	[sflag:s31] =	ssyncadd.s32 $0xFFFF8000  }
0xb1: {  	[hbm4b:s1+s2] =	stream.linear.scatter [tilespmem:s2], [sflag:$0x3], $0x8000, $0x38;
	[tilespmem:$0x10000] =	vst v63  }
0xb2: {  	s14 =	simm.s32 $0x2;
	s7 =	simm.s32 $0x8000;
	s3 =	rddreg [dreg:$0x5]  }
0xb3: {  	[tilespmem:s7], [sflag:$0x2] =	stream.linear.gather [hbm4b:s3+s2], $0x8000, $0x38;
	[tilespmem:$0x10000] =	vst v63  }
0xb4: {  	_ =	swait.ge [sflag:s14], $0x8000  }
0xb5: {  	s11 =	simm.s32 $0x3;
	s6 =	smov.u32 s30;
	[sflag:s14] =	ssyncset.done $0x0  }
0xb6: {  	s30 =	smov.u32 s29;
	s29 =	smov.u32 s28;
	[sflag:s14] =	ssyncadd.s32 $0xFFFF8000  }
0xb7: {  	s28 =	smov.u32 s26;
	s26 =	smov.u32 s25;
	_ =	swait.ge [sflag:s11], $0x8000  }
0xb8: {  	s25 =	smov.u32 s24;
	s24 =	smov.u32 s23;
	[sflag:s11] =	ssyncset.done $0x0  }
0xb9: {  	s23 =	smov.u32 s22;
	s14 =	rddreg [dreg:$0x6];
	[sflag:s11] =	ssyncadd.s32 $0xFFFF8000  }
0xba: {  	[hbm4b:s14+s2] =	stream.linear.scatter [tilespmem:s7], [sflag:$0x4], $0x8000, $0x38;
	[tilespmem:$0x10000] =	vst v63  }
0xbb: {  	s22 =	smov.u32 s21;
	s21 =	smov.u32 s20;
	s20 =	rddreg [dreg:$0x7]  }
0xbc: {  	[tilespmem:s2], [sflag:$0x1] =	stream.linear.gather [hbm4b:s20+s2], $0x8000, $0x38;
	[tilespmem:$0x10000] =	vst v63  }
0xbd: {  	_ =	swait.ge [sflag:s31], $0x8000  }
0xbe: {  	[sflag:s31] =	ssyncset.done $0x0  }
0xbf: {  	s8 =	simm.s32 $0x4;
	[sflag:s31] =	ssyncadd.s32 $0xFFFF8000  }
0xc0: {  	_ =	swait.ge [sflag:s8], $0x8000  }
0xc1: {  	[sflag:s8] =	ssyncset.done $0x0  }
0xc2: {  	s14 =	rddreg [dreg:$0x8];
	[sflag:s8] =	ssyncadd.s32 $0xFFFF8000  }
0xc3: {  	[hbm4b:s14+s2] =	stream.linear.scatter [tilespmem:s2], [sflag:$0x3], $0x8000, $0x38;
	[tilespmem:$0x10000] =	vst v63  }
0xc4: {  	s11 =	simm.s32 $0x2;
	s20 =	rddreg [dreg:$0x9]  }
0xc5: {  	[tilespmem:s7], [sflag:$0x2] =	stream.linear.gather [hbm4b:s20+s2], $0x8000, $0x38;
	[tilespmem:$0x10000] =	vst v63  }
0xc6: {  	_ =	swait.ge [sflag:s11], $0x8000  }
0xc7: {  	[sflag:s11] =	ssyncset.done $0x0  }
0xc8: {  	s8 =	simm.s32 $0x3;
	[sflag:s11] =	ssyncadd.s32 $0xFFFF8000  }
0xc9: {  	_ =	swait.ge [sflag:s8], $0x8000  }
0xca: {  	s14 =	rddreg [dreg:$0xa];
	[sflag:s8] =	ssyncset.done $0x0  }
0xcb: {  	s20 =	rddreg [dreg:$0xb];
	[sflag:s8] =	ssyncadd.s32 $0xFFFF8000  }
0xcc: {  	[hbm4b:s14+s2] =	stream.linear.scatter [tilespmem:s7], [sflag:$0x4], $0x8000, $0x38;
	[tilespmem:$0x10000] =	vst v63  }
0xcd: {  	s3 =	rddreg [dreg:$0xc];
	s7 =	simm.s32 $0x4;
	s14 =	smov.u32 s9  }
0xce: {  	[tilespmem:s2], [sflag:$0x1] =	stream.linear.gather [hbm4b:s20+s2], $0x8000, $0x38;
	[tilespmem:$0x10000] =	vst v63  }
0xcf: {  	s9 =	smov.u32 s12;
	s12 =	rddreg [dreg:$0xd];
	_ =	swait.ge [sflag:s31], $0x8000  }
0xd0: {  	s20 =	smov.u32 s21;
	s21 =	smov.u32 s22;
	[sflag:s31] =	ssyncset.done $0x0  }
0xd1: {  	s22 =	smov.u32 s23;
	s23 =	smov.u32 s24;
	[sflag:s31] =	ssyncadd.s32 $0xFFFF8000  }
0xd2: {  	s24 =	smov.u32 s25;
	s25 =	smov.u32 s26;
	_ =	swait.ge [sflag:s7], $0x8000  }
0xd3: {  	s26 =	smov.u32 s28;
	s28 =	smov.u32 s29;
	[sflag:s7] =	ssyncset.done $0x0  }
0xd4: {  	s29 =	smov.u32 s30;
	s30 =	smov.u32 s6;
	[sflag:s7] =	ssyncadd.s32 $0xFFFF8000  }
0xd5: {  	[hbm4b:s30+s2] =	stream.linear.scatter [tilespmem:s2], [sflag:$0x3], $0x8000, $0x38;
	[tilespmem:$0x10000] =	vst v63  }
0xd6: {  	s6 =	simm.s32 $0x8000  }
0xd7: {  	[tilespmem:s6], [sflag:$0x2] =	stream.linear.gather [hbm4b:s3+s2], $0x8000, $0x38;
	[tilespmem:$0x10000] =	vst v63  }
0xd8: {  	_ =	swait.ge [sflag:s11], $0x8000  }
0xd9: {  	[sflag:s11] =	ssyncset.done $0x0  }
0xda: {  	[sflag:s11] =	ssyncadd.s32 $0xFFFF8000  }
0xdb: {  	_ =	swait.ge [sflag:s8], $0x8000  }
0xdc: {  	[sflag:s8] =	ssyncset.done $0x0  }
0xdd: {  	[sflag:s8] =	ssyncadd.s32 $0xFFFF8000  }
0xde: {  	[hbm4b:s28+s2] =	stream.linear.scatter [tilespmem:s6], [sflag:$0x4], $0x8000, $0x38;
	[tilespmem:$0x10000] =	vst v63  }
0xdf: {  	_ = 	snop  }
0xe0: {  	[tilespmem:s2], [sflag:$0x1] =	stream.linear.gather [hbm4b:s29+s2], $0x8000, $0x38;
	[tilespmem:$0x10000] =	vst v63  }
0xe1: {  	_ =	swait.ge [sflag:s31], $0x8000  }
0xe2: {  	[sflag:s31] =	ssyncset.done $0x0  }
0xe3: {  	[sflag:s31] =	ssyncadd.s32 $0xFFFF8000  }
0xe4: {  	_ =	swait.ge [sflag:s7], $0x8000  }
0xe5: {  	[sflag:s7] =	ssyncset.done $0x0  }
0xe6: {  	[sflag:s7] =	ssyncadd.s32 $0xFFFF8000  }
0xe7: {  	[hbm4b:s25+s2] =	stream.linear.scatter [tilespmem:s2], [sflag:$0x3], $0x8000, $0x38;
	[tilespmem:$0x10000] =	vst v63  }
0xe8: {  	_ = 	snop  }
0xe9: {  	[tilespmem:s6], [sflag:$0x2] =	stream.linear.gather [hbm4b:s26+s2], $0x8000, $0x38;
	[tilespmem:$0x10000] =	vst v63  }
0xea: {  	_ =	swait.ge [sflag:s11], $0x8000  }
0xeb: {  	[sflag:s11] =	ssyncset.done $0x0  }
0xec: {  	[sflag:s11] =	ssyncadd.s32 $0xFFFF8000  }
0xed: {  	_ =	swait.ge [sflag:s8], $0x8000  }
0xee: {  	[sflag:s8] =	ssyncset.done $0x0  }
0xef: {  	[sflag:s8] =	ssyncadd.s32 $0xFFFF8000  }
0xf0: {  	[hbm4b:s23+s2] =	stream.linear.scatter [tilespmem:s6], [sflag:$0x4], $0x8000, $0x38;
	[tilespmem:$0x10000] =	vst v63  }
0xf1: {  	_ = 	snop  }
0xf2: {  	[tilespmem:s2], [sflag:$0x1] =	stream.linear.gather [hbm4b:s24+s2], $0x8000, $0x38;
	[tilespmem:$0x10000] =	vst v63  }
0xf3: {  	_ =	swait.ge [sflag:s31], $0x8000  }
0xf4: {  	[sflag:s31] =	ssyncset.done $0x0  }
0xf5: {  	[sflag:s31] =	ssyncadd.s32 $0xFFFF8000  }
0xf6: {  	_ =	swait.ge [sflag:s7], $0x8000  }
0xf7: {  	[sflag:s7] =	ssyncset.done $0x0  }
0xf8: {  	[sflag:s7] =	ssyncadd.s32 $0xFFFF8000  }
0xf9: {  	[hbm4b:s21+s2] =	stream.linear.scatter [tilespmem:s2], [sflag:$0x3], $0x8000, $0x38;
	[tilespmem:$0x10000] =	vst v63  }
0xfa: {  	_ = 	snop  }
0xfb: {  	[tilespmem:s6], [sflag:$0x2] =	stream.linear.gather [hbm4b:s22+s2], $0x8000, $0x38;
	[tilespmem:$0x10000] =	vst v63  }
0xfc: {  	_ =	swait.ge [sflag:s11], $0x8000  }
0xfd: {  	[sflag:s11] =	ssyncset.done $0x0  }
0xfe: {  	[sflag:s11] =	ssyncadd.s32 $0xFFFF8000  }
0xff: {  	_ =	swait.ge [sflag:s8], $0x8000  }
0x100: {  	[sflag:s8] =	ssyncset.done $0x0  }
0x101: {  	[sflag:s8] =	ssyncadd.s32 $0xFFFF8000  }
0x102: {  	[hbm4b:s19+s2] =	stream.linear.scatter [tilespmem:s6], [sflag:$0x4], $0x8000, $0x38;
	[tilespmem:$0x10000] =	vst v63  }
0x103: {  	_ = 	snop  }
0x104: {  	[tilespmem:s2], [sflag:$0x1] =	stream.linear.gather [hbm4b:s20+s2], $0x8000, $0x38;
	[tilespmem:$0x10000] =	vst v63  }
0x105: {  	_ =	swait.ge [sflag:s31], $0x8000  }
0x106: {  	[sflag:s31] =	ssyncset.done $0x0  }
0x107: {  	[sflag:s31] =	ssyncadd.s32 $0xFFFF8000  }
0x108: {  	_ =	swait.ge [sflag:s7], $0x8000  }
0x109: {  	[sflag:s7] =	ssyncset.done $0x0  }
0x10a: {  	[sflag:s7] =	ssyncadd.s32 $0xFFFF8000  }
0x10b: {  	[hbm4b:s12+s2] =	stream.linear.scatter [tilespmem:s2], [sflag:$0x3], $0x8000, $0x38;
	[tilespmem:$0x10000] =	vst v63  }
0x10c: {  	_ = 	snop  }
0x10d: {  	[tilespmem:s6], [sflag:$0x2] =	stream.linear.gather [hbm4b:s18+s2], $0x8000, $0x38;
	[tilespmem:$0x10000] =	vst v63  }
0x10e: {  	_ =	swait.ge [sflag:s11], $0x8000  }
0x10f: {  	[sflag:s11] =	ssyncset.done $0x0  }
0x110: {  	[sflag:s11] =	ssyncadd.s32 $0xFFFF8000  }
0x111: {  	s1 =	smov.u32 s4;
	_ =	swait.ge [sflag:s8], $0x8000  }
0x112: {  	s4 =	smov.u32 s5;
	s5 =	smov.u32 s10;
	[sflag:s8] =	ssyncset.done $0x0  }
0x113: {  	s10 =	smov.u32 s13;
	s13 =	smov.u32 s16;
	[sflag:s8] =	ssyncadd.s32 $0xFFFF8000  }
0x114: {  	[hbm4b:s13+s2] =	stream.linear.scatter [tilespmem:s6], [sflag:$0x4], $0x8000, $0x38;
	[tilespmem:$0x10000] =	vst v63  }
0x115: {  	_ = 	snop  }
0x116: {  	[tilespmem:s2], [sflag:$0x1] =	stream.linear.gather [hbm4b:s17+s2], $0x8000, $0x38;
	[tilespmem:$0x10000] =	vst v63  }
0x117: {  	_ =	swait.ge [sflag:s31], $0x8000  }
0x118: {  	[sflag:s31] =	ssyncset.done $0x0  }
0x119: {  	[sflag:s31] =	ssyncadd.s32 $0xFFFF8000  }
0x11a: {  	_ =	swait.ge [sflag:s7], $0x8000  }
0x11b: {  	[sflag:s7] =	ssyncset.done $0x0  }
0x11c: {  	[sflag:s7] =	ssyncadd.s32 $0xFFFF8000  }
0x11d: {  	[hbm4b:s10+s2] =	stream.linear.scatter [tilespmem:s2], [sflag:$0x3], $0x8000, $0x38;
	[tilespmem:$0x10000] =	vst v63  }
0x11e: {  	_ = 	snop  }
0x11f: {  	[tilespmem:s6], [sflag:$0x2] =	stream.linear.gather [hbm4b:s15+s2], $0x8000, $0x38;
	[tilespmem:$0x10000] =	vst v63  }
0x120: {  	_ =	swait.ge [sflag:s11], $0x8000  }
0x121: {  	[sflag:s11] =	ssyncset.done $0x0  }
0x122: {  	[sflag:s11] =	ssyncadd.s32 $0xFFFF8000  }
0x123: {  	_ =	swait.ge [sflag:s8], $0x8000  }
0x124: {  	[sflag:s8] =	ssyncset.done $0x0  }
0x125: {  	[sflag:s8] =	ssyncadd.s32 $0xFFFF8000  }
0x126: {  	[hbm4b:s5+s2] =	stream.linear.scatter [tilespmem:s6], [sflag:$0x4], $0x8000, $0x38;
	[tilespmem:$0x10000] =	vst v63  }
0x127: {  	_ = 	snop  }
0x128: {  	[tilespmem:s2], [sflag:$0x1] =	stream.linear.gather [hbm4b:s9+s2], $0x8000, $0x38;
	[tilespmem:$0x10000] =	vst v63  }
0x129: {  	_ =	swait.ge [sflag:s31], $0x8000  }
0x12a: {  	[sflag:s31] =	ssyncset.done $0x0  }
0x12b: {  	[sflag:s31] =	ssyncadd.s32 $0xFFFF8000  }
0x12c: {  	_ =	swait.ge [sflag:s7], $0x8000  }
0x12d: {  	[sflag:s7] =	ssyncset.done $0x0  }
0x12e: {  	[sflag:s7] =	ssyncadd.s32 $0xFFFF8000  }
0x12f: {  	[hbm4b:s4+s2] =	stream.linear.scatter [tilespmem:s2], [sflag:$0x3], $0x8000, $0x38;
	[tilespmem:$0x10000] =	vst v63  }
0x130: {  	_ = 	snop  }
0x131: {  	[tilespmem:s6], [sflag:$0x2] =	stream.linear.gather [hbm4b:s14+s2], $0x8000, $0x38;
	[tilespmem:$0x10000] =	vst v63  }
0x132: {  	_ =	swait.ge [sflag:s11], $0x8000  }
0x133: {  	[sflag:s11] =	ssyncset.done $0x0  }
0x134: {  	p1 =	sne.s32 s0, $0x1;
	[sflag:s11] =	ssyncadd.s32 $0xFFFF8000  }
0x135: {  	s0 =	sadd.s32 $0xFFFFFFFF, s0;
	s16 =	smov.u32 s13;
	_ =	swait.ge [sflag:s8], $0x8000  }
.Ltmp2:
0x136: {  	s12 =	smov.u32 s9;
	[sflag:s8] =	ssyncset.done $0x0;
	(pc) =	sbr.rel @p1 .LBB2_2-.Ltmp2, $4  }
0x137: {  	s13 =	smov.u32 s10;
	s10 =	smov.u32 s5;
	[sflag:s8] =	ssyncadd.s32 $0xFFFF8000  }
0x138: {  	[hbm4b:s1+s2] =	stream.linear.scatter [tilespmem:s6], [sflag:$0x4], $0x8000, $0x38;
	[tilespmem:$0x10000] =	vst v63  }
0x139: {  	s5 =	smov.u32 s4;
	s9 =	smov.u32 s14;
	_ =	swait.ge [sflag:s7], $0x8000  }
0x13a: {  	s4 =	smov.u32 s1;
	s1 =	rddreg [dreg:$0x3];
	[sflag:s7] =	ssyncset.done $0x0  }
.LBB2_3:
0x13b: {  	[sflag:s7] =	ssyncadd.s32 @p0 $0xFFFF8000  }
0x13c: {  	[tilespmem:s2], [sflag:$0x1] =	stream.linear.gather [hbm4b:s1+s2], $0x8000, $0x38;
	[tilespmem:$0x10000] =	vst v63  }
0x13d: {  	_ =	swait.ge [sflag:s31], $0x8000  }
0x13e: {  	[sflag:s31] =	ssyncset.done $0x0  }
0x13f: {  	s0 =	rddreg [dreg:$0x4];
	[sflag:s31] =	ssyncadd.s32 $0xFFFF8000  }
0x140: {  	[hbm4b:s0+s2] =	stream.linear.scatter [tilespmem:s2], [sflag:$0x3], $0x8000, $0x38;
	[tilespmem:$0x10000] =	vst v63  }
0x141: {  	s14 =	rddreg [dreg:$0x5]  }
0x142: {  	[tilespmem:s6], [sflag:$0x2] =	stream.linear.gather [hbm4b:s14+s2], $0x8000, $0x38;
	[tilespmem:$0x10000] =	vst v63  }
0x143: {  	_ =	swait.ge [sflag:s11], $0x8000  }
0x144: {  	[sflag:s11] =	ssyncset.done $0x0  }
0x145: {  	[sflag:s11] =	ssyncadd.s32 $0xFFFF8000  }
0x146: {  	_ =	swait.ge [sflag:s8], $0x8000  }
0x147: {  	[sflag:s8] =	ssyncset.done $0x0  }
0x148: {  	s1 =	rddreg [dreg:$0x6];
	[sflag:s8] =	ssyncadd.s32 $0xFFFF8000  }
0x149: {  	[hbm4b:s1+s2] =	stream.linear.scatter [tilespmem:s6], [sflag:$0x4], $0x8000, $0x38;
	[tilespmem:$0x10000] =	vst v63  }
0x14a: {  	s14 =	rddreg [dreg:$0x7]  }
0x14b: {  	[tilespmem:s2], [sflag:$0x1] =	stream.linear.gather [hbm4b:s14+s2], $0x8000, $0x38;
	[tilespmem:$0x10000] =	vst v63  }
0x14c: {  	_ =	swait.ge [sflag:s31], $0x8000  }
0x14d: {  	[sflag:s31] =	ssyncset.done $0x0  }
0x14e: {  	[sflag:s31] =	ssyncadd.s32 $0xFFFF8000  }
0x14f: {  	_ =	swait.ge [sflag:s7], $0x8000  }
0x150: {  	[sflag:s7] =	ssyncset.done $0x0  }
0x151: {  	s1 =	rddreg [dreg:$0x8];
	[sflag:s7] =	ssyncadd.s32 $0xFFFF8000  }
0x152: {  	[hbm4b:s1+s2] =	stream.linear.scatter [tilespmem:s2], [sflag:$0x3], $0x8000, $0x38;
	[tilespmem:$0x10000] =	vst v63  }
0x153: {  	s14 =	rddreg [dreg:$0x9]  }
0x154: {  	[tilespmem:s6], [sflag:$0x2] =	stream.linear.gather [hbm4b:s14+s2], $0x8000, $0x38;
	[tilespmem:$0x10000] =	vst v63  }
0x155: {  	_ =	swait.ge [sflag:s11], $0x8000  }
0x156: {  	[sflag:s11] =	ssyncset.done $0x0  }
0x157: {  	[sflag:s11] =	ssyncadd.s32 $0xFFFF8000  }
0x158: {  	_ =	swait.ge [sflag:s8], $0x8000  }
0x159: {  	[sflag:s8] =	ssyncset.done $0x0  }
0x15a: {  	s1 =	rddreg [dreg:$0xa];
	[sflag:s8] =	ssyncadd.s32 $0xFFFF8000  }
0x15b: {  	[hbm4b:s1+s2] =	stream.linear.scatter [tilespmem:s6], [sflag:$0x4], $0x8000, $0x38;
	[tilespmem:$0x10000] =	vst v63  }
0x15c: {  	s14 =	rddreg [dreg:$0xb]  }
0x15d: {  	[tilespmem:s2], [sflag:$0x1] =	stream.linear.gather [hbm4b:s14+s2], $0x8000, $0x38;
	[tilespmem:$0x10000] =	vst v63  }
0x15e: {  	_ =	swait.ge [sflag:s31], $0x8000  }
0x15f: {  	[sflag:s31] =	ssyncset.done $0x0  }
0x160: {  	[sflag:s31] =	ssyncadd.s32 $0xFFFF8000  }
0x161: {  	_ =	swait.ge [sflag:s7], $0x8000  }
0x162: {  	[sflag:s7] =	ssyncset.done $0x0  }
0x163: {  	[sflag:s7] =	ssyncadd.s32 $0xFFFF8000  }
0x164: {  	[hbm4b:s30+s2] =	stream.linear.scatter [tilespmem:s2], [sflag:$0x3], $0x8000, $0x38;
	[tilespmem:$0x10000] =	vst v63  }
0x165: {  	_ = 	snop  }
0x166: {  	[tilespmem:s6], [sflag:$0x2] =	stream.linear.gather [hbm4b:s3+s2], $0x8000, $0x38;
	[tilespmem:$0x10000] =	vst v63  }
0x167: {  	_ =	swait.ge [sflag:s11], $0x8000  }
0x168: {  	[sflag:s11] =	ssyncset.done $0x0  }
0x169: {  	[sflag:s11] =	ssyncadd.s32 $0xFFFF8000  }
0x16a: {  	_ =	swait.ge [sflag:s8], $0x8000  }
0x16b: {  	[sflag:s8] =	ssyncset.done $0x0  }
0x16c: {  	[sflag:s8] =	ssyncadd.s32 $0xFFFF8000  }
0x16d: {  	[hbm4b:s28+s2] =	stream.linear.scatter [tilespmem:s6], [sflag:$0x4], $0x8000, $0x38;
	[tilespmem:$0x10000] =	vst v63  }
0x16e: {  	_ = 	snop  }
0x16f: {  	[tilespmem:s2], [sflag:$0x1] =	stream.linear.gather [hbm4b:s29+s2], $0x8000, $0x38;
	[tilespmem:$0x10000] =	vst v63  }
0x170: {  	_ =	swait.ge [sflag:s31], $0x8000  }
0x171: {  	[sflag:s31] =	ssyncset.done $0x0  }
0x172: {  	[sflag:s31] =	ssyncadd.s32 $0xFFFF8000  }
0x173: {  	_ =	swait.ge [sflag:s7], $0x8000  }
0x174: {  	[sflag:s7] =	ssyncset.done $0x0  }
0x175: {  	[sflag:s7] =	ssyncadd.s32 $0xFFFF8000  }
0x176: {  	[hbm4b:s25+s2] =	stream.linear.scatter [tilespmem:s2], [sflag:$0x3], $0x8000, $0x38;
	[tilespmem:$0x10000] =	vst v63  }
0x177: {  	_ = 	snop  }
0x178: {  	[tilespmem:s6], [sflag:$0x2] =	stream.linear.gather [hbm4b:s26+s2], $0x8000, $0x38;
	[tilespmem:$0x10000] =	vst v63  }
0x179: {  	_ =	swait.ge [sflag:s11], $0x8000  }
0x17a: {  	[sflag:s11] =	ssyncset.done $0x0  }
0x17b: {  	[sflag:s11] =	ssyncadd.s32 $0xFFFF8000  }
0x17c: {  	_ =	swait.ge [sflag:s8], $0x8000  }
0x17d: {  	[sflag:s8] =	ssyncset.done $0x0  }
0x17e: {  	[sflag:s8] =	ssyncadd.s32 $0xFFFF8000  }
0x17f: {  	[hbm4b:s23+s2] =	stream.linear.scatter [tilespmem:s6], [sflag:$0x4], $0x8000, $0x38;
	[tilespmem:$0x10000] =	vst v63  }
0x180: {  	_ = 	snop  }
0x181: {  	[tilespmem:s2], [sflag:$0x1] =	stream.linear.gather [hbm4b:s24+s2], $0x8000, $0x38;
	[tilespmem:$0x10000] =	vst v63  }
0x182: {  	_ =	swait.ge [sflag:s31], $0x8000  }
0x183: {  	[sflag:s31] =	ssyncset.done $0x0  }
0x184: {  	[sflag:s31] =	ssyncadd.s32 $0xFFFF8000  }
0x185: {  	_ =	swait.ge [sflag:s7], $0x8000  }
0x186: {  	[sflag:s7] =	ssyncset.done $0x0  }
0x187: {  	[sflag:s7] =	ssyncadd.s32 $0xFFFF8000  }
0x188: {  	[hbm4b:s21+s2] =	stream.linear.scatter [tilespmem:s2], [sflag:$0x3], $0x8000, $0x38;
	[tilespmem:$0x10000] =	vst v63  }
0x189: {  	_ = 	snop  }
0x18a: {  	[tilespmem:s6], [sflag:$0x2] =	stream.linear.gather [hbm4b:s22+s2], $0x8000, $0x38;
	[tilespmem:$0x10000] =	vst v63  }
0x18b: {  	_ =	swait.ge [sflag:s11], $0x8000  }
0x18c: {  	[sflag:s11] =	ssyncset.done $0x0  }
0x18d: {  	[sflag:s11] =	ssyncadd.s32 $0xFFFF8000  }
0x18e: {  	_ =	swait.ge [sflag:s8], $0x8000  }
0x18f: {  	[sflag:s8] =	ssyncset.done $0x0  }
0x190: {  	[sflag:s8] =	ssyncadd.s32 $0xFFFF8000  }
0x191: {  	[hbm4b:s19+s2] =	stream.linear.scatter [tilespmem:s6], [sflag:$0x4], $0x8000, $0x38;
	[tilespmem:$0x10000] =	vst v63  }
0x192: {  	_ = 	snop  }
0x193: {  	[tilespmem:s2], [sflag:$0x1] =	stream.linear.gather [hbm4b:s20+s2], $0x8000, $0x38;
	[tilespmem:$0x10000] =	vst v63  }
0x194: {  	_ =	swait.ge [sflag:s31], $0x8000  }
0x195: {  	[sflag:s31] =	ssyncset.done $0x0  }
0x196: {  	[sflag:s31] =	ssyncadd.s32 $0xFFFF8000  }
0x197: {  	_ =	swait.ge [sflag:s7], $0x8000  }
0x198: {  	[sflag:s7] =	ssyncset.done $0x0  }
0x199: {  	s30 =	rddreg [dreg:$0xd];
	[sflag:s7] =	ssyncadd.s32 $0xFFFF8000  }
0x19a: {  	[hbm4b:s30+s2] =	stream.linear.scatter [tilespmem:s2], [sflag:$0x3], $0x8000, $0x38;
	[tilespmem:$0x10000] =	vst v63  }
0x19b: {  	_ = 	snop  }
0x19c: {  	[tilespmem:s6], [sflag:$0x2] =	stream.linear.gather [hbm4b:s18+s2], $0x8000, $0x38;
	[tilespmem:$0x10000] =	vst v63  }
0x19d: {  	_ =	swait.ge [sflag:s11], $0x8000  }
0x19e: {  	[sflag:s11] =	ssyncset.done $0x0  }
0x19f: {  	[sflag:s11] =	ssyncadd.s32 $0xFFFF8000  }
0x1a0: {  	_ =	swait.ge [sflag:s8], $0x8000  }
0x1a1: {  	[sflag:s8] =	ssyncset.done $0x0  }
0x1a2: {  	[sflag:s8] =	ssyncadd.s32 $0xFFFF8000  }
0x1a3: {  	[hbm4b:s16+s2] =	stream.linear.scatter [tilespmem:s6], [sflag:$0x4], $0x8000, $0x38;
	[tilespmem:$0x10000] =	vst v63  }
0x1a4: {  	_ = 	snop  }
0x1a5: {  	[tilespmem:s2], [sflag:$0x1] =	stream.linear.gather [hbm4b:s17+s2], $0x8000, $0x38;
	[tilespmem:$0x10000] =	vst v63  }
0x1a6: {  	_ =	swait.ge [sflag:s31], $0x8000  }
0x1a7: {  	[sflag:s31] =	ssyncset.done $0x0  }
0x1a8: {  	[sflag:s31] =	ssyncadd.s32 $0xFFFF8000  }
0x1a9: {  	_ =	swait.ge [sflag:s7], $0x8000  }
0x1aa: {  	[sflag:s7] =	ssyncset.done $0x0  }
0x1ab: {  	[sflag:s7] =	ssyncadd.s32 $0xFFFF8000  }
0x1ac: {  	[hbm4b:s13+s2] =	stream.linear.scatter [tilespmem:s2], [sflag:$0x3], $0x8000, $0x38;
	[tilespmem:$0x10000] =	vst v63  }
0x1ad: {  	_ = 	snop  }
0x1ae: {  	[tilespmem:s6], [sflag:$0x2] =	stream.linear.gather [hbm4b:s15+s2], $0x8000, $0x38;
	[tilespmem:$0x10000] =	vst v63  }
0x1af: {  	_ =	swait.ge [sflag:s11], $0x8000  }
0x1b0: {  	[sflag:s11] =	ssyncset.done $0x0  }
0x1b1: {  	[sflag:s11] =	ssyncadd.s32 $0xFFFF8000  }
0x1b2: {  	_ =	swait.ge [sflag:s8], $0x8000  }
0x1b3: {  	[sflag:s8] =	ssyncset.done $0x0  }
0x1b4: {  	[sflag:s8] =	ssyncadd.s32 $0xFFFF8000  }
0x1b5: {  	[hbm4b:s10+s2] =	stream.linear.scatter [tilespmem:s6], [sflag:$0x4], $0x8000, $0x38;
	[tilespmem:$0x10000] =	vst v63  }
0x1b6: {  	_ = 	snop  }
0x1b7: {  	[tilespmem:s2], [sflag:$0x1] =	stream.linear.gather [hbm4b:s12+s2], $0x8000, $0x38;
	[tilespmem:$0x10000] =	vst v63  }
0x1b8: {  	_ =	swait.ge [sflag:s31], $0x8000  }
0x1b9: {  	[sflag:s31] =	ssyncset.done $0x0  }
0x1ba: {  	[sflag:s31] =	ssyncadd.s32 $0xFFFF8000  }
0x1bb: {  	_ =	swait.ge [sflag:s7], $0x8000  }
0x1bc: {  	[sflag:s7] =	ssyncset.done $0x0  }
0x1bd: {  	[sflag:s7] =	ssyncadd.s32 $0xFFFF8000  }
0x1be: {  	[hbm4b:s5+s2] =	stream.linear.scatter [tilespmem:s2], [sflag:$0x3], $0x8000, $0x38;
	[tilespmem:$0x10000] =	vst v63  }
0x1bf: {  	_ = 	snop  }
0x1c0: {  	[tilespmem:s6], [sflag:$0x2] =	stream.linear.gather [hbm4b:s9+s2], $0x8000, $0x38;
	[tilespmem:$0x10000] =	vst v63  }
0x1c1: {  	_ =	swait.ge [sflag:s11], $0x8000  }
0x1c2: {  	[sflag:s11] =	ssyncset.done $0x0  }
0x1c3: {  	[sflag:s11] =	ssyncadd.s32 $0xFFFF8000  }
0x1c4: {  	_ =	swait.ge [sflag:s8], $0x8000  }
0x1c5: {  	[sflag:s8] =	ssyncset.done $0x0  }
0x1c6: {  	[sflag:s8] =	ssyncadd.s32 $0xFFFF8000  }
0x1c7: {  	[hbm4b:s4+s2] =	stream.linear.scatter [tilespmem:s6], [sflag:$0x4], $0x8000, $0x38;
	[tilespmem:$0x10000] =	vst v63  }
0x1c8: {  	_ =	swait.ge [sflag:s7], $0x8000  }
0x1c9: {  	[sflag:s7] =	ssyncset.done $0x0  }
0x1ca: {  	[sflag:s7] =	ssyncadd.s32 $0xFFFF8000  }
0x1cb: {  	_ =	sfence.sel $0x180000  }
0x1cc: {  	[bflag:$0x0] =	sbarrier.arrive $0xFFFF  }
0x1cd: {  	_ =	strace $0x90000047  }
0x1ce: {  	s31 =	stileid.u32;
	[bflag:$0x2] =	sbarrier.arrive $0xFFFF  }
0x1cf: {  	p0 =	sne.s32 s31, $0x0;
	s0 =	rddreg [dreg:$0x2]  }
0x1d0: {  	s0 =	sadd.s32 @!p0 $0x100000, s0  }
0x1d1: {  	[sflag:s0] =	ssyncadd.tile.s32 @!p0 $0x1;
	_ =	shalt  }
.Lfunc_end2:
_tile_overlayer_lowered:
.L_overlay_start_2:
0x1d2: {  	(tag) =	ssettag $0x2  }
0x1d3: {  	s0 =	rddreg [dreg:$0x0];
	s2 =	stileid.u32  }
0x1d4: {  	s1 =	rddreg [dreg:$0x1];
	p0 =	sne.s32 s2, $0x0  }
0x1d5: {  	s3 =	rddreg [dreg:$0x2];
	[bflag:$0x3] =	sbarrier.arrive $0xFFFF;
	s2 =	simm.s32 @!p0 $0x1C05  }
0x1d6: {  	[timem:s3], [sflag:s2] =	dma.local @!p0 [hbm:s0], s1  }
0x1d7: {  	s0 =	simm.s32 @!p0 $0x5  }
0x1d8: {  	_ =	swait.ge @!p0 [sflag:s0], s1  }
0x1d9: {  	s1 =	ssub.s32 @!p0 $0x0, s1;
	[sflag:s0] =	ssyncset.done @!p0 $0x0  }
0x1da: {  	[sflag:s0] =	ssyncadd.s32 @!p0 s1  }
0x1db: {  	[bflag:$0x3] =	sbarrier.arrive $0xFFFF  }
0x1dc: {  	_ =	shalt  }

</sc_bundles>
